<compile_context>
chip_gen: v7x
topology: tpu7x:2x2x1
jax: 0.10.2.dev20260603
libtpu: 0.0.44.dev20260713+nightly
codegen_flags: <defaults>
</compile_context>

<pallas_src>
import functools

import jax
import jax.numpy as jnp
from jax import lax
from jax.experimental import pallas as pl
from jax.experimental.pallas import tpu as pltpu
from jax.experimental.pallas import tpu_sc as plsc

B, S, H, R, E = 4, 2048, 2048, 256, 16
TOP_K = 2
TEMPERATURE = 1.0
LN_EPS = 1e-5

NC, NS, LANES = 2, 16, 16
NW = NC * NS

S_TC = 1792
S_SC = S - S_TC

TILES_PER_BATCH = NW // B
ROWS_PER_TILE = S_SC // TILES_PER_BATCH
CHUNK = 16
NCHUNK = ROWS_PER_TILE // CHUNK

S_BLK = 256


NBUF = 3


def _sc_pool_body(hs_hbm, out_hbm, bufs, accb, sems):
    cid = lax.axis_index("c")
    sid = lax.axis_index("s")
    w = sid * NC + cid
    b = w // TILES_PER_BATCH
    t = w % TILES_PER_BATCH
    base = b * S + S_TC + t * ROWS_PER_TILE

    handles = [None] * NBUF
    for k in range(min(NBUF, NCHUNK)):
        handles[k] = pltpu.async_copy(
            hs_hbm.at[pl.ds(base + k * CHUNK, CHUNK)], bufs[k], sems[k])

    for k in range(NCHUNK):
        sl_buf = k % NBUF
        handles[sl_buf].wait()
        buf = bufs[sl_buf]
        if k == 0:
            def body0(j, c):
                sl = pl.ds(j * LANES, LANES)
                v = buf[0, sl]
                for r in range(1, CHUNK):
                    v = v + buf[r, sl]
                accb[0, sl] = v
                return c
            lax.fori_loop(0, H // LANES, body0, 0)
        else:
            def bodyk(j, c):
                sl = pl.ds(j * LANES, LANES)
                v = buf[0, sl]
                for r in range(1, CHUNK):
                    v = v + buf[r, sl]
                accb[0, sl] = accb[0, sl] + v
                return c
            lax.fori_loop(0, H // LANES, bodyk, 0)
        nk = k + NBUF
        if nk < NCHUNK:
            handles[sl_buf] = pltpu.async_copy(
                hs_hbm.at[pl.ds(base + nk * CHUNK, CHUNK)],
                bufs[sl_buf], sems[sl_buf])

    pltpu.sync_copy(accb, out_hbm.at[pl.ds(w, 1)])


@functools.partial(
    pl.kernel,
    out_type=jax.ShapeDtypeStruct((NW, H), jnp.float32),
    mesh=plsc.VectorSubcoreMesh(core_axis_name="c", subcore_axis_name="s"),
    scratch_types=[
        [pltpu.VMEM((CHUNK, H), jnp.float32) for _ in range(NBUF)],
        pltpu.VMEM((1, H), jnp.float32),
        [pltpu.SemaphoreType.DMA for _ in range(NBUF)],
    ],
    name="sc_mean_pool",
)
def _sc_pool(hs_hbm, out_hbm, bufs, accb, sems):
    _sc_pool_body(hs_hbm, out_hbm, bufs, accb, sems)


def _tc_pool_kernel(x_ref, out_ref, acc_ref):
    i = pl.program_id(0)
    partial = jnp.sum(x_ref[...], axis=1)

    @pl.when(i == 0)
    def _init():
        acc_ref[...] = partial

    @pl.when(i > 0)
    def _acc():
        acc_ref[...] = acc_ref[...] + partial

    @pl.when(i == (S_TC // S_BLK) - 1)
    def _out():
        out_ref[...] = acc_ref[...]


def _router_finish_kernel(psum_ref, w1_ref, b1_ref, g_ref, bt_ref, w2_ref,
                          b2_ref, out_ref, *, has_tc):
    parts = psum_ref[...]
    sc_sum = jnp.sum(parts[:NW].reshape(B, TILES_PER_BATCH, H), axis=1)
    pooled = (sc_sum + parts[NW:]) if has_tc else sc_sum
    pooled = pooled * (1.0 / S)
    h = lax.dot_general(
        pooled, w1_ref[...], (((1,), (0,)), ((), ())),
        preferred_element_type=jnp.float32,
        precision=lax.Precision.HIGHEST,
    ) + b1_ref[...]
    mu = jnp.mean(h, axis=-1, keepdims=True)
    var = jnp.mean((h - mu) ** 2, axis=-1, keepdims=True)
    h = (h - mu) * lax.rsqrt(var + LN_EPS) * g_ref[...] + bt_ref[...]
    h = h * 0.5 * (1.0 + lax.erf(h * 0.7071067811865476))
    logits = lax.dot_general(
        h, w2_ref[...], (((1,), (0,)), ((), ())),
        preferred_element_type=jnp.float32,
        precision=lax.Precision.HIGHEST,
    ) + b2_ref[...]

    col = lax.broadcasted_iota(jnp.int32, (B, E), 1)
    m1 = jnp.max(logits, axis=-1, keepdims=True)
    idx1 = jnp.min(jnp.where(logits == m1, col, E), axis=-1, keepdims=True)
    masked = jnp.where(col == idx1, -jnp.inf, logits)
    m2 = jnp.max(masked, axis=-1, keepdims=True)
    idx2 = jnp.min(jnp.where(masked == m2, col, E), axis=-1, keepdims=True)
    sexp = jnp.exp((m2 - m1) * (1.0 / TEMPERATURE))
    w_hi = 1.0 / (1.0 + sexp)
    w_lo = sexp / (1.0 + sexp)
    out_ref[...] = jnp.where(col == idx1, w_hi,
                             jnp.where(col == idx2, w_lo, 0.0))


def kernel(hidden_states, W1, b1, gamma, beta, W2, b2):
    hs2d = hidden_states.reshape(B * S, H)
    sc_part = _sc_pool(hs2d)

    parts = [sc_part]
    if S_TC > 0:
        tc_part = pl.pallas_call(
            _tc_pool_kernel,
            grid=(S_TC // S_BLK,),
            in_specs=[pl.BlockSpec((B, S_BLK, H), lambda i: (0, i, 0))],
            out_specs=pl.BlockSpec((B, H), lambda i: (0, 0)),
            out_shape=jax.ShapeDtypeStruct((B, H), jnp.float32),
            scratch_shapes=[pltpu.VMEM((B, H), jnp.float32)],
            compiler_params=pltpu.CompilerParams(
                dimension_semantics=("arbitrary",),
            ),
        )(hidden_states[:, :S_TC, :])
        parts.append(tc_part)

    psum = jnp.concatenate(parts, axis=0) if len(parts) > 1 else sc_part

    return pl.pallas_call(
        functools.partial(_router_finish_kernel, has_tc=(S_TC > 0)),
        in_specs=[
            pl.BlockSpec(psum.shape, lambda: (0, 0)),
            pl.BlockSpec((H, R), lambda: (0, 0)),
            pl.BlockSpec((1, R), lambda: (0, 0)),
            pl.BlockSpec((1, R), lambda: (0, 0)),
            pl.BlockSpec((1, R), lambda: (0, 0)),
            pl.BlockSpec((R, E), lambda: (0, 0)),
            pl.BlockSpec((1, E), lambda: (0, 0)),
        ],
        out_specs=pl.BlockSpec((B, E), lambda: (0, 0)),
        out_shape=jax.ShapeDtypeStruct((B, E), jnp.float32),
    )(psum, W1, b1.reshape(1, R), gamma.reshape(1, R), beta.reshape(1, R),
      W2, b2.reshape(1, E))

# --- scband reference (transcript-rebuilt; emitter-appended) ---
"""Pipeline reference for scband-zvector-sparse-router-489626272104 (READ-ONLY COPY).

The authoritative reference and input builder live on the scoring server;
editing this copy changes nothing except your own understanding.
"""

import jax, jax.numpy as jnp
import numpy as np

B, S, H, R, E = 4, 2048, 2048, 256, 16
TOP_K = 2
TEMPERATURE = 1.0
LN_EPS = 1e-5


def setup_inputs(seed: int = 0) -> dict:
    key = jax.random.key(seed)
    ks = jax.random.split(key, 4)
    hidden_states = jax.random.normal(ks[0], (B, S, H), dtype=jnp.float32)
    W1 = jax.random.normal(ks[1], (H, R), dtype=jnp.float32) * (1.0 / np.sqrt(H))
    b1 = jnp.zeros((R,), dtype=jnp.float32)
    gamma = jnp.ones((R,), dtype=jnp.float32)
    beta = jnp.zeros((R,), dtype=jnp.float32)
    W2 = jax.random.normal(ks[2], (R, E), dtype=jnp.float32) * (1.0 / np.sqrt(R))
    b2 = jnp.zeros((E,), dtype=jnp.float32)
    return {
        "hidden_states": hidden_states,
        "W1": W1,
        "b1": b1,
        "gamma": gamma,
        "beta": beta,
        "W2": W2,
        "b2": b2,
    }


def reference(hidden_states, W1, b1, gamma, beta, W2, b2):
    # pooled = hidden_states.mean(dim=1)
    pooled = jnp.mean(hidden_states, axis=1)  # [B, H]
    # Linear -> LayerNorm -> GELU -> Dropout(eval: identity) -> Linear
    h = pooled @ W1 + b1  # [B, R]
    mu = jnp.mean(h, axis=-1, keepdims=True)
    var = jnp.mean((h - mu) ** 2, axis=-1, keepdims=True)
    h = (h - mu) / jnp.sqrt(var + LN_EPS) * gamma + beta
    h = jax.nn.gelu(h, approximate=False)
    logits = h @ W2 + b2  # [B, E]
    # top-k sparse routing
    topk_values, topk_indices = jax.lax.top_k(logits, TOP_K)
    topk_weights = jax.nn.softmax(topk_values / TEMPERATURE, axis=-1)
    rows = jnp.arange(logits.shape[0])[:, None]
    routing_weights = jnp.zeros_like(logits).at[rows, topk_indices].set(topk_weights)
    return routing_weights

if __name__ == "__main__":
    import jax
    _d = setup_inputs()
    print(jax.jit(kernel)(*tuple(_d.values())))

</pallas_src>

<mosaic_0001>
#map = affine_map<(d0, d1) -> (0, 0)>
module attributes {stable_mosaic.version = 14 : i64} {
  func.func @sc_mean_pool(%arg0: i32, %arg1: i32, %arg2: memref<8192x2048xf32, #tpu.memory_space<hbm>>, %arg3: memref<32x2048xf32, #tpu.memory_space<hbm>>, %arg4: memref<16x2048xf32, #tpu.memory_space<vmem>>, %arg5: memref<16x2048xf32, #tpu.memory_space<vmem>>, %arg6: memref<16x2048xf32, #tpu.memory_space<vmem>>, %arg7: memref<1x2048xf32, #tpu.memory_space<vmem>>, %arg8: memref<!tpu.dma_semaphore, #tpu.memory_space<semaphore_mem>>, %arg9: memref<!tpu.dma_semaphore, #tpu.memory_space<semaphore_mem>>, %arg10: memref<!tpu.dma_semaphore, #tpu.memory_space<semaphore_mem>>) attributes {dimension_semantics = [#tpu.dimension_semantics<core_parallel>, #tpu.dimension_semantics<subcore_parallel>], iteration_bounds = array<i64: 2, 16>, scalar_prefetch = 0 : i64, scratch_operands = 7 : i64, tpu.core_type = #tpu.core_type<sc_vector_subcore>, window_params = [{transform_indices = #map}, {transform_indices = #map}]} {
    %mul3A = arith.constant 2 : i32
    %mul3A_0 = arith.muli %arg1, %mul3A : i32
    %add3A = arith.addi %mul3A_0, %arg0 : i32
    %jit3A = arith.constant 8 : i32
    %div3A = arith.divsi %add3A, %jit3A : i32
    %sign3A = arith.constant 0 : i32
    %sign3A_1 = arith.cmpi sgt, %add3A, %sign3A : i32
    %sign3A_2 = arith.extui %sign3A_1 : i1 to i32
    %sign3A_3 = arith.constant 0 : i32
    %sign3A_4 = arith.cmpi slt, %add3A, %sign3A_3 : i32
    %sign3A_5 = arith.extui %sign3A_4 : i1 to i32
    %sign3A_6 = arith.subi %sign3A_2, %sign3A_5 : i32
    %sign3A_7 = arith.constant 0 : i32
    %sign3A_8 = arith.cmpi sgt, %jit3A, %sign3A_7 : i32
    %sign3A_9 = arith.extui %sign3A_8 : i1 to i32
    %sign3A_10 = arith.constant 0 : i32
    %sign3A_11 = arith.cmpi slt, %jit3A, %sign3A_10 : i32
    %sign3A_12 = arith.extui %sign3A_11 : i1 to i32
    %sign3A_13 = arith.subi %sign3A_9, %sign3A_12 : i32
    %ne3A = arith.cmpi ne, %sign3A_6, %sign3A_13 : i32
    %rem3A = arith.remsi %add3A, %jit3A : i32
    %ne3A_14 = arith.constant 0 : i32
    %ne3A_15 = arith.cmpi ne, %rem3A, %ne3A_14 : i32
    %and3A = arith.andi %ne3A, %ne3A_15 : i1
    %sub3A = arith.constant 1 : i32
    %sub3A_16 = arith.subi %div3A, %sub3A : i32
    %select_n3A = arith.select %and3A, %sub3A_16, %div3A : i32
    %jit3A_17 = arith.constant 8 : i32
    %eq3A = arith.constant 0 : i32
    %eq3A_18 = arith.cmpi eq, %jit3A_17, %eq3A : i32
    %jit3A_19 = arith.constant 1 : i32
    %select_n3A_20 = arith.select %eq3A_18, %jit3A_19, %jit3A_17 : i32
    %rem3A_21 = arith.remsi %add3A, %select_n3A_20 : i32
    %ne3A_22 = arith.constant 0 : i32
    %ne3A_23 = arith.cmpi ne, %rem3A_21, %ne3A_22 : i32
    %lt3A = arith.constant 0 : i32
    %lt3A_24 = arith.cmpi slt, %rem3A_21, %lt3A : i32
    %lt3A_25 = arith.constant 0 : i32
    %lt3A_26 = arith.cmpi slt, %select_n3A_20, %lt3A_25 : i32
    %ne3A_27 = arith.xori %lt3A_24, %lt3A_26 : i1
    %and3A_28 = arith.andi %ne3A_27, %ne3A_23 : i1
    %add3A_29 = arith.addi %rem3A_21, %select_n3A_20 : i32
    %select_n3A_30 = arith.select %and3A_28, %add3A_29, %rem3A_21 : i32
    %mul3A_31 = arith.constant 2048 : i32
    %mul3A_32 = arith.muli %select_n3A, %mul3A_31 : i32
    %add3A_33 = arith.constant 1792 : i32
    %add3A_34 = arith.addi %mul3A_32, %add3A_33 : i32
    %mul3A_35 = arith.constant 32 : i32
    %mul3A_36 = arith.muli %select_n3A_30, %mul3A_35 : i32
    %add3A_37 = arith.addi %add3A_34, %mul3A_36 : i32
    %add3A_38 = arith.constant 0 : i32
    %add3A_39 = arith.addi %add3A_37, %add3A_38 : i32
    %dma_start3A = arith.constant 0 : i32
    %dma_start3A_40 = tpu.memref_slice %arg2[%add3A_39, %dma_start3A] : memref<8192x2048xf32, #tpu.memory_space<hbm>> -> memref<16x2048xf32, #tpu.memory_space<hbm>>
    %dma_start3A_41 = arith.constant 0 : i32
    %dma_start3A_42 = tpu.memref_slice %arg2[%add3A_39, %dma_start3A_41] : memref<8192x2048xf32, #tpu.memory_space<hbm>> -> memref<16x2048xf32, #tpu.memory_space<hbm>>
    tpu.enqueue_dma source(%dma_start3A_42 : memref<16x2048xf32, #tpu.memory_space<hbm>>) target(%arg4 : memref<16x2048xf32, #tpu.memory_space<vmem>>) target_semaphore(%arg8 : memref<!tpu.dma_semaphore, #tpu.memory_space<semaphore_mem>>)
    %add3A_43 = arith.constant 16 : i32
    %add3A_44 = arith.addi %add3A_37, %add3A_43 : i32
    %dma_start3A_45 = arith.constant 0 : i32
    %dma_start3A_46 = tpu.memref_slice %arg2[%add3A_44, %dma_start3A_45] : memref<8192x2048xf32, #tpu.memory_space<hbm>> -> memref<16x2048xf32, #tpu.memory_space<hbm>>
    %dma_start3A_47 = arith.constant 0 : i32
    %dma_start3A_48 = tpu.memref_slice %arg2[%add3A_44, %dma_start3A_47] : memref<8192x2048xf32, #tpu.memory_space<hbm>> -> memref<16x2048xf32, #tpu.memory_space<hbm>>
    tpu.enqueue_dma source(%dma_start3A_48 : memref<16x2048xf32, #tpu.memory_space<hbm>>) target(%arg5 : memref<16x2048xf32, #tpu.memory_space<vmem>>) target_semaphore(%arg9 : memref<!tpu.dma_semaphore, #tpu.memory_space<semaphore_mem>>)
    %dma_wait3A = arith.constant 0 : i32
    %dma_wait3A_49 = tpu.memref_slice %arg2[%add3A_39, %dma_wait3A] : memref<8192x2048xf32, #tpu.memory_space<hbm>> -> memref<16x2048xf32, #tpu.memory_space<hbm>>
    %dma_wait3A_50 = arith.constant 0 : i32
    %dma_wait3A_51 = tpu.memref_slice %arg2[%add3A_39, %dma_wait3A_50] : memref<8192x2048xf32, #tpu.memory_space<hbm>> -> memref<16x2048xf32, #tpu.memory_space<hbm>>
    tpu.wait_dma2 semaphore(%arg8 : memref<!tpu.dma_semaphore, #tpu.memory_space<semaphore_mem>>) src(%dma_wait3A_51 : memref<16x2048xf32, #tpu.memory_space<hbm>>) dst(%arg4 : memref<16x2048xf32, #tpu.memory_space<vmem>>)
    %scan3A = arith.constant 0 : i32
    %scan3A_52 = arith.constant 0 : i32
    %scan3A_53 = arith.constant 128 : i32
    %scan3A_54 = arith.addi %scan3A_52, %scan3A_53 : i32
    %scan3A_55 = arith.constant 1 : i32
    scf.for %scan3A_67 = %scan3A_52 to %scan3A_54 step %scan3A_55  : i32 {
      %mul3A_68 = arith.constant 16 : i32
      %mul3A_69 = arith.muli %scan3A_67, %mul3A_68 : i32
      %get3A = arith.constant 0 : i32
      %get3A_70 = arith.index_cast %get3A : i32 to index
      %get3A_71 = arith.index_cast %mul3A_69 : i32 to index
      %get3A_72 = tpu.vector_load %arg4[%get3A_70, %get3A_71] {strides = array<i32>} : memref<16x2048xf32, #tpu.memory_space<vmem>>, vector<1x16xf32>,
      %get3A_73 = vector.shape_cast %get3A_72 : vector<1x16xf32> to vector<16xf32>
      %get3A_74 = arith.constant 1 : i32
      %get3A_75 = arith.index_cast %get3A_74 : i32 to index
      %get3A_76 = arith.index_cast %mul3A_69 : i32 to index
      %get3A_77 = tpu.vector_load %arg4[%get3A_75, %get3A_76] {strides = array<i32>} : memref<16x2048xf32, #tpu.memory_space<vmem>>, vector<1x16xf32>,
      %get3A_78 = vector.shape_cast %get3A_77 : vector<1x16xf32> to vector<16xf32>
      %add3A_79 = arith.addf %get3A_73, %get3A_78 : vector<16xf32>
      %get3A_80 = arith.constant 2 : i32
      %get3A_81 = arith.index_cast %get3A_80 : i32 to index
      %get3A_82 = arith.index_cast %mul3A_69 : i32 to index
      %get3A_83 = tpu.vector_load %arg4[%get3A_81, %get3A_82] {strides = array<i32>} : memref<16x2048xf32, #tpu.memory_space<vmem>>, vector<1x16xf32>,
      %get3A_84 = vector.shape_cast %get3A_83 : vector<1x16xf32> to vector<16xf32>
      %add3A_85 = arith.addf %add3A_79, %get3A_84 : vector<16xf32>
      %get3A_86 = arith.constant 3 : i32
      %get3A_87 = arith.index_cast %get3A_86 : i32 to index
      %get3A_88 = arith.index_cast %mul3A_69 : i32 to index
      %get3A_89 = tpu.vector_load %arg4[%get3A_87, %get3A_88] {strides = array<i32>} : memref<16x2048xf32, #tpu.memory_space<vmem>>, vector<1x16xf32>,
      %get3A_90 = vector.shape_cast %get3A_89 : vector<1x16xf32> to vector<16xf32>
      %add3A_91 = arith.addf %add3A_85, %get3A_90 : vector<16xf32>
      %get3A_92 = arith.constant 4 : i32
      %get3A_93 = arith.index_cast %get3A_92 : i32 to index
      %get3A_94 = arith.index_cast %mul3A_69 : i32 to index
      %get3A_95 = tpu.vector_load %arg4[%get3A_93, %get3A_94] {strides = array<i32>} : memref<16x2048xf32, #tpu.memory_space<vmem>>, vector<1x16xf32>,
      %get3A_96 = vector.shape_cast %get3A_95 : vector<1x16xf32> to vector<16xf32>
      %add3A_97 = arith.addf %add3A_91, %get3A_96 : vector<16xf32>
      %get3A_98 = arith.constant 5 : i32
      %get3A_99 = arith.index_cast %get3A_98 : i32 to index
      %get3A_100 = arith.index_cast %mul3A_69 : i32 to index
      %get3A_101 = tpu.vector_load %arg4[%get3A_99, %get3A_100] {strides = array<i32>} : memref<16x2048xf32, #tpu.memory_space<vmem>>, vector<1x16xf32>,
      %get3A_102 = vector.shape_cast %get3A_101 : vector<1x16xf32> to vector<16xf32>
      %add3A_103 = arith.addf %add3A_97, %get3A_102 : vector<16xf32>
      %get3A_104 = arith.constant 6 : i32
      %get3A_105 = arith.index_cast %get3A_104 : i32 to index
      %get3A_106 = arith.index_cast %mul3A_69 : i32 to index
      %get3A_107 = tpu.vector_load %arg4[%get3A_105, %get3A_106] {strides = array<i32>} : memref<16x2048xf32, #tpu.memory_space<vmem>>, vector<1x16xf32>,
      %get3A_108 = vector.shape_cast %get3A_107 : vector<1x16xf32> to vector<16xf32>
      %add3A_109 = arith.addf %add3A_103, %get3A_108 : vector<16xf32>
      %get3A_110 = arith.constant 7 : i32
      %get3A_111 = arith.index_cast %get3A_110 : i32 to index
      %get3A_112 = arith.index_cast %mul3A_69 : i32 to index
      %get3A_113 = tpu.vector_load %arg4[%get3A_111, %get3A_112] {strides = array<i32>} : memref<16x2048xf32, #tpu.memory_space<vmem>>, vector<1x16xf32>,
      %get3A_114 = vector.shape_cast %get3A_113 : vector<1x16xf32> to vector<16xf32>
      %add3A_115 = arith.addf %add3A_109, %get3A_114 : vector<16xf32>
      %get3A_116 = arith.constant 8 : i32
      %get3A_117 = arith.index_cast %get3A_116 : i32 to index
      %get3A_118 = arith.index_cast %mul3A_69 : i32 to index
      %get3A_119 = tpu.vector_load %arg4[%get3A_117, %get3A_118] {strides = array<i32>} : memref<16x2048xf32, #tpu.memory_space<vmem>>, vector<1x16xf32>,
      %get3A_120 = vector.shape_cast %get3A_119 : vector<1x16xf32> to vector<16xf32>
      %add3A_121 = arith.addf %add3A_115, %get3A_120 : vector<16xf32>
      %get3A_122 = arith.constant 9 : i32
      %get3A_123 = arith.index_cast %get3A_122 : i32 to index
      %get3A_124 = arith.index_cast %mul3A_69 : i32 to index
      %get3A_125 = tpu.vector_load %arg4[%get3A_123, %get3A_124] {strides = array<i32>} : memref<16x2048xf32, #tpu.memory_space<vmem>>, vector<1x16xf32>,
      %get3A_126 = vector.shape_cast %get3A_125 : vector<1x16xf32> to vector<16xf32>
      %add3A_127 = arith.addf %add3A_121, %get3A_126 : vector<16xf32>
      %get3A_128 = arith.constant 10 : i32
      %get3A_129 = arith.index_cast %get3A_128 : i32 to index
      %get3A_130 = arith.index_cast %mul3A_69 : i32 to index
      %get3A_131 = tpu.vector_load %arg4[%get3A_129, %get3A_130] {strides = array<i32>} : memref<16x2048xf32, #tpu.memory_space<vmem>>, vector<1x16xf32>,
      %get3A_132 = vector.shape_cast %get3A_131 : vector<1x16xf32> to vector<16xf32>
      %add3A_133 = arith.addf %add3A_127, %get3A_132 : vector<16xf32>
      %get3A_134 = arith.constant 11 : i32
      %get3A_135 = arith.index_cast %get3A_134 : i32 to index
      %get3A_136 = arith.index_cast %mul3A_69 : i32 to index
      %get3A_137 = tpu.vector_load %arg4[%get3A_135, %get3A_136] {strides = array<i32>} : memref<16x2048xf32, #tpu.memory_space<vmem>>, vector<1x16xf32>,
      %get3A_138 = vector.shape_cast %get3A_137 : vector<1x16xf32> to vector<16xf32>
      %add3A_139 = arith.addf %add3A_133, %get3A_138 : vector<16xf32>
      %get3A_140 = arith.constant 12 : i32
      %get3A_141 = arith.index_cast %get3A_140 : i32 to index
      %get3A_142 = arith.index_cast %mul3A_69 : i32 to index
      %get3A_143 = tpu.vector_load %arg4[%get3A_141, %get3A_142] {strides = array<i32>} : memref<16x2048xf32, #tpu.memory_space<vmem>>, vector<1x16xf32>,
      %get3A_144 = vector.shape_cast %get3A_143 : vector<1x16xf32> to vector<16xf32>
      %add3A_145 = arith.addf %add3A_139, %get3A_144 : vector<16xf32>
      %get3A_146 = arith.constant 13 : i32
      %get3A_147 = arith.index_cast %get3A_146 : i32 to index
      %get3A_148 = arith.index_cast %mul3A_69 : i32 to index
      %get3A_149 = tpu.vector_load %arg4[%get3A_147, %get3A_148] {strides = array<i32>} : memref<16x2048xf32, #tpu.memory_space<vmem>>, vector<1x16xf32>,
      %get3A_150 = vector.shape_cast %get3A_149 : vector<1x16xf32> to vector<16xf32>
      %add3A_151 = arith.addf %add3A_145, %get3A_150 : vector<16xf32>
      %get3A_152 = arith.constant 14 : i32
      %get3A_153 = arith.index_cast %get3A_152 : i32 to index
      %get3A_154 = arith.index_cast %mul3A_69 : i32 to index
      %get3A_155 = tpu.vector_load %arg4[%get3A_153, %get3A_154] {strides = array<i32>} : memref<16x2048xf32, #tpu.memory_space<vmem>>, vector<1x16xf32>,
      %get3A_156 = vector.shape_cast %get3A_155 : vector<1x16xf32> to vector<16xf32>
      %add3A_157 = arith.addf %add3A_151, %get3A_156 : vector<16xf32>
      %get3A_158 = arith.constant 15 : i32
      %get3A_159 = arith.index_cast %get3A_158 : i32 to index
      %get3A_160 = arith.index_cast %mul3A_69 : i32 to index
      %get3A_161 = tpu.vector_load %arg4[%get3A_159, %get3A_160] {strides = array<i32>} : memref<16x2048xf32, #tpu.memory_space<vmem>>, vector<1x16xf32>,
      %get3A_162 = vector.shape_cast %get3A_161 : vector<1x16xf32> to vector<16xf32>
      %add3A_163 = arith.addf %add3A_157, %get3A_162 : vector<16xf32>
      %swap3A = arith.constant 0 : i32
      %swap3A_164 = arith.index_cast %swap3A : i32 to index
      %swap3A_165 = arith.index_cast %mul3A_69 : i32 to index
      %swap3A_166 = tpu.vector_load %arg7[%swap3A_164, %swap3A_165] {strides = array<i32>} : memref<1x2048xf32, #tpu.memory_space<vmem>>, vector<1x16xf32>,
      %swap3A_167 = vector.shape_cast %swap3A_166 : vector<1x16xf32> to vector<16xf32>
      %swap3A_168 = vector.shape_cast %add3A_163 : vector<16xf32> to vector<1x16xf32>
      tpu.vector_store %arg7[%swap3A_164, %swap3A_165], %swap3A_168 {strides = array<i32>} : memref<1x2048xf32, #tpu.memory_space<vmem>>, vector<1x16xf32>,
    }
    %scan3A_56 = arith.constant 128 : i32
    %dma_wait3A_57 = arith.constant 0 : i32
    %dma_wait3A_58 = tpu.memref_slice %arg2[%add3A_44, %dma_wait3A_57] : memref<8192x2048xf32, #tpu.memory_space<hbm>> -> memref<16x2048xf32, #tpu.memory_space<hbm>>
    %dma_wait3A_59 = arith.constant 0 : i32
    %dma_wait3A_60 = tpu.memref_slice %arg2[%add3A_44, %dma_wait3A_59] : memref<8192x2048xf32, #tpu.memory_space<hbm>> -> memref<16x2048xf32, #tpu.memory_space<hbm>>
    tpu.wait_dma2 semaphore(%arg9 : memref<!tpu.dma_semaphore, #tpu.memory_space<semaphore_mem>>) src(%dma_wait3A_60 : memref<16x2048xf32, #tpu.memory_space<hbm>>) dst(%arg5 : memref<16x2048xf32, #tpu.memory_space<vmem>>)
    %scan3A_61 = arith.constant 0 : i32
    %scan3A_62 = arith.constant 0 : i32
    %scan3A_63 = arith.constant 128 : i32
    %scan3A_64 = arith.addi %scan3A_62, %scan3A_63 : i32
    %scan3A_65 = arith.constant 1 : i32
    scf.for %scan3A_67 = %scan3A_62 to %scan3A_64 step %scan3A_65  : i32 {
      %mul3A_68 = arith.constant 16 : i32
      %mul3A_69 = arith.muli %scan3A_67, %mul3A_68 : i32
      %get3A = arith.constant 0 : i32
      %get3A_70 = arith.index_cast %get3A : i32 to index
      %get3A_71 = arith.index_cast %mul3A_69 : i32 to index
      %get3A_72 = tpu.vector_load %arg5[%get3A_70, %get3A_71] {strides = array<i32>} : memref<16x2048xf32, #tpu.memory_space<vmem>>, vector<1x16xf32>,
      %get3A_73 = vector.shape_cast %get3A_72 : vector<1x16xf32> to vector<16xf32>
      %get3A_74 = arith.constant 1 : i32
      %get3A_75 = arith.index_cast %get3A_74 : i32 to index
      %get3A_76 = arith.index_cast %mul3A_69 : i32 to index
      %get3A_77 = tpu.vector_load %arg5[%get3A_75, %get3A_76] {strides = array<i32>} : memref<16x2048xf32, #tpu.memory_space<vmem>>, vector<1x16xf32>,
      %get3A_78 = vector.shape_cast %get3A_77 : vector<1x16xf32> to vector<16xf32>
      %add3A_79 = arith.addf %get3A_73, %get3A_78 : vector<16xf32>
      %get3A_80 = arith.constant 2 : i32
      %get3A_81 = arith.index_cast %get3A_80 : i32 to index
      %get3A_82 = arith.index_cast %mul3A_69 : i32 to index
      %get3A_83 = tpu.vector_load %arg5[%get3A_81, %get3A_82] {strides = array<i32>} : memref<16x2048xf32, #tpu.memory_space<vmem>>, vector<1x16xf32>,
      %get3A_84 = vector.shape_cast %get3A_83 : vector<1x16xf32> to vector<16xf32>
      %add3A_85 = arith.addf %add3A_79, %get3A_84 : vector<16xf32>
      %get3A_86 = arith.constant 3 : i32
      %get3A_87 = arith.index_cast %get3A_86 : i32 to index
      %get3A_88 = arith.index_cast %mul3A_69 : i32 to index
      %get3A_89 = tpu.vector_load %arg5[%get3A_87, %get3A_88] {strides = array<i32>} : memref<16x2048xf32, #tpu.memory_space<vmem>>, vector<1x16xf32>,
      %get3A_90 = vector.shape_cast %get3A_89 : vector<1x16xf32> to vector<16xf32>
      %add3A_91 = arith.addf %add3A_85, %get3A_90 : vector<16xf32>
      %get3A_92 = arith.constant 4 : i32
      %get3A_93 = arith.index_cast %get3A_92 : i32 to index
      %get3A_94 = arith.index_cast %mul3A_69 : i32 to index
      %get3A_95 = tpu.vector_load %arg5[%get3A_93, %get3A_94] {strides = array<i32>} : memref<16x2048xf32, #tpu.memory_space<vmem>>, vector<1x16xf32>,
      %get3A_96 = vector.shape_cast %get3A_95 : vector<1x16xf32> to vector<16xf32>
      %add3A_97 = arith.addf %add3A_91, %get3A_96 : vector<16xf32>
      %get3A_98 = arith.constant 5 : i32
      %get3A_99 = arith.index_cast %get3A_98 : i32 to index
      %get3A_100 = arith.index_cast %mul3A_69 : i32 to index
      %get3A_101 = tpu.vector_load %arg5[%get3A_99, %get3A_100] {strides = array<i32>} : memref<16x2048xf32, #tpu.memory_space<vmem>>, vector<1x16xf32>,
      %get3A_102 = vector.shape_cast %get3A_101 : vector<1x16xf32> to vector<16xf32>
      %add3A_103 = arith.addf %add3A_97, %get3A_102 : vector<16xf32>
      %get3A_104 = arith.constant 6 : i32
      %get3A_105 = arith.index_cast %get3A_104 : i32 to index
      %get3A_106 = arith.index_cast %mul3A_69 : i32 to index
      %get3A_107 = tpu.vector_load %arg5[%get3A_105, %get3A_106] {strides = array<i32>} : memref<16x2048xf32, #tpu.memory_space<vmem>>, vector<1x16xf32>,
      %get3A_108 = vector.shape_cast %get3A_107 : vector<1x16xf32> to vector<16xf32>
      %add3A_109 = arith.addf %add3A_103, %get3A_108 : vector<16xf32>
      %get3A_110 = arith.constant 7 : i32
      %get3A_111 = arith.index_cast %get3A_110 : i32 to index
      %get3A_112 = arith.index_cast %mul3A_69 : i32 to index
      %get3A_113 = tpu.vector_load %arg5[%get3A_111, %get3A_112] {strides = array<i32>} : memref<16x2048xf32, #tpu.memory_space<vmem>>, vector<1x16xf32>,
      %get3A_114 = vector.shape_cast %get3A_113 : vector<1x16xf32> to vector<16xf32>
      %add3A_115 = arith.addf %add3A_109, %get3A_114 : vector<16xf32>
      %get3A_116 = arith.constant 8 : i32
      %get3A_117 = arith.index_cast %get3A_116 : i32 to index
      %get3A_118 = arith.index_cast %mul3A_69 : i32 to index
      %get3A_119 = tpu.vector_load %arg5[%get3A_117, %get3A_118] {strides = array<i32>} : memref<16x2048xf32, #tpu.memory_space<vmem>>, vector<1x16xf32>,
      %get3A_120 = vector.shape_cast %get3A_119 : vector<1x16xf32> to vector<16xf32>
      %add3A_121 = arith.addf %add3A_115, %get3A_120 : vector<16xf32>
      %get3A_122 = arith.constant 9 : i32
      %get3A_123 = arith.index_cast %get3A_122 : i32 to index
      %get3A_124 = arith.index_cast %mul3A_69 : i32 to index
      %get3A_125 = tpu.vector_load %arg5[%get3A_123, %get3A_124] {strides = array<i32>} : memref<16x2048xf32, #tpu.memory_space<vmem>>, vector<1x16xf32>,
      %get3A_126 = vector.shape_cast %get3A_125 : vector<1x16xf32> to vector<16xf32>
      %add3A_127 = arith.addf %add3A_121, %get3A_126 : vector<16xf32>
      %get3A_128 = arith.constant 10 : i32
      %get3A_129 = arith.index_cast %get3A_128 : i32 to index
      %get3A_130 = arith.index_cast %mul3A_69 : i32 to index
      %get3A_131 = tpu.vector_load %arg5[%get3A_129, %get3A_130] {strides = array<i32>} : memref<16x2048xf32, #tpu.memory_space<vmem>>, vector<1x16xf32>,
      %get3A_132 = vector.shape_cast %get3A_131 : vector<1x16xf32> to vector<16xf32>
      %add3A_133 = arith.addf %add3A_127, %get3A_132 : vector<16xf32>
      %get3A_134 = arith.constant 11 : i32
      %get3A_135 = arith.index_cast %get3A_134 : i32 to index
      %get3A_136 = arith.index_cast %mul3A_69 : i32 to index
      %get3A_137 = tpu.vector_load %arg5[%get3A_135, %get3A_136] {strides = array<i32>} : memref<16x2048xf32, #tpu.memory_space<vmem>>, vector<1x16xf32>,
      %get3A_138 = vector.shape_cast %get3A_137 : vector<1x16xf32> to vector<16xf32>
      %add3A_139 = arith.addf %add3A_133, %get3A_138 : vector<16xf32>
      %get3A_140 = arith.constant 12 : i32
      %get3A_141 = arith.index_cast %get3A_140 : i32 to index
      %get3A_142 = arith.index_cast %mul3A_69 : i32 to index
      %get3A_143 = tpu.vector_load %arg5[%get3A_141, %get3A_142] {strides = array<i32>} : memref<16x2048xf32, #tpu.memory_space<vmem>>, vector<1x16xf32>,
      %get3A_144 = vector.shape_cast %get3A_143 : vector<1x16xf32> to vector<16xf32>
      %add3A_145 = arith.addf %add3A_139, %get3A_144 : vector<16xf32>
      %get3A_146 = arith.constant 13 : i32
      %get3A_147 = arith.index_cast %get3A_146 : i32 to index
      %get3A_148 = arith.index_cast %mul3A_69 : i32 to index
      %get3A_149 = tpu.vector_load %arg5[%get3A_147, %get3A_148] {strides = array<i32>} : memref<16x2048xf32, #tpu.memory_space<vmem>>, vector<1x16xf32>,
      %get3A_150 = vector.shape_cast %get3A_149 : vector<1x16xf32> to vector<16xf32>
      %add3A_151 = arith.addf %add3A_145, %get3A_150 : vector<16xf32>
      %get3A_152 = arith.constant 14 : i32
      %get3A_153 = arith.index_cast %get3A_152 : i32 to index
      %get3A_154 = arith.index_cast %mul3A_69 : i32 to index
      %get3A_155 = tpu.vector_load %arg5[%get3A_153, %get3A_154] {strides = array<i32>} : memref<16x2048xf32, #tpu.memory_space<vmem>>, vector<1x16xf32>,
      %get3A_156 = vector.shape_cast %get3A_155 : vector<1x16xf32> to vector<16xf32>
      %add3A_157 = arith.addf %add3A_151, %get3A_156 : vector<16xf32>
      %get3A_158 = arith.constant 15 : i32
      %get3A_159 = arith.index_cast %get3A_158 : i32 to index
      %get3A_160 = arith.index_cast %mul3A_69 : i32 to index
      %get3A_161 = tpu.vector_load %arg5[%get3A_159, %get3A_160] {strides = array<i32>} : memref<16x2048xf32, #tpu.memory_space<vmem>>, vector<1x16xf32>,
      %get3A_162 = vector.shape_cast %get3A_161 : vector<1x16xf32> to vector<16xf32>
      %add3A_163 = arith.addf %add3A_157, %get3A_162 : vector<16xf32>
      %get3A_164 = arith.constant 0 : i32
      %get3A_165 = arith.index_cast %get3A_164 : i32 to index
      %get3A_166 = arith.index_cast %mul3A_69 : i32 to index
      %get3A_167 = tpu.vector_load %arg7[%get3A_165, %get3A_166] {strides = array<i32>} : memref<1x2048xf32, #tpu.memory_space<vmem>>, vector<1x16xf32>,
      %get3A_168 = vector.shape_cast %get3A_167 : vector<1x16xf32> to vector<16xf32>
      %add3A_169 = arith.addf %get3A_168, %add3A_163 : vector<16xf32>
      %swap3A = arith.constant 0 : i32
      %swap3A_170 = arith.index_cast %swap3A : i32 to index
      %swap3A_171 = arith.index_cast %mul3A_69 : i32 to index
      %swap3A_172 = tpu.vector_load %arg7[%swap3A_170, %swap3A_171] {strides = array<i32>} : memref<1x2048xf32, #tpu.memory_space<vmem>>, vector<1x16xf32>,
      %swap3A_173 = vector.shape_cast %swap3A_172 : vector<1x16xf32> to vector<16xf32>
      %swap3A_174 = vector.shape_cast %add3A_169 : vector<16xf32> to vector<1x16xf32>
      tpu.vector_store %arg7[%swap3A_170, %swap3A_171], %swap3A_174 {strides = array<i32>} : memref<1x2048xf32, #tpu.memory_space<vmem>>, vector<1x16xf32>,
    }
    %scan3A_66 = arith.constant 128 : i32
    "tpu.region"() ({
      %run_scoped3A = tpu.sem_alloc : memref<!tpu.dma_semaphore, #tpu.memory_space<semaphore_mem>>
      %dma_start3A_67 = arith.constant 0 : i32
      %dma_start3A_68 = tpu.memref_slice %arg3[%add3A, %dma_start3A_67] : memref<32x2048xf32, #tpu.memory_space<hbm>> -> memref<1x2048xf32, #tpu.memory_space<hbm>>
      %dma_start3A_69 = arith.constant 0 : i32
      %dma_start3A_70 = tpu.memref_slice %arg3[%add3A, %dma_start3A_69] : memref<32x2048xf32, #tpu.memory_space<hbm>> -> memref<1x2048xf32, #tpu.memory_space<hbm>>
      tpu.enqueue_dma source(%arg7 : memref<1x2048xf32, #tpu.memory_space<vmem>>) target(%dma_start3A_70 : memref<1x2048xf32, #tpu.memory_space<hbm>>) target_semaphore(%run_scoped3A : memref<!tpu.dma_semaphore, #tpu.memory_space<semaphore_mem>>)
      %dma_wait3A_71 = arith.constant 0 : i32
      %dma_wait3A_72 = tpu.memref_slice %arg3[%add3A, %dma_wait3A_71] : memref<32x2048xf32, #tpu.memory_space<hbm>> -> memref<1x2048xf32, #tpu.memory_space<hbm>>
      %dma_wait3A_73 = arith.constant 0 : i32
      %dma_wait3A_74 = tpu.memref_slice %arg3[%add3A, %dma_wait3A_73] : memref<32x2048xf32, #tpu.memory_space<hbm>> -> memref<1x2048xf32, #tpu.memory_space<hbm>>
      tpu.wait_dma2 semaphore(%run_scoped3A : memref<!tpu.dma_semaphore, #tpu.memory_space<semaphore_mem>>) src(%arg7 : memref<1x2048xf32, #tpu.memory_space<vmem>>) dst(%dma_wait3A_74 : memref<1x2048xf32, #tpu.memory_space<hbm>>)
      tpu.yield
    }) : () -> ()
    return
  }
}

module attributes {stable_mosaic.version = 14 : i64} {
  func.func @_tc_pool_kernel(%arg0: i32, %arg1: memref<4x256x2048xf32, #tpu.memory_space<vmem>>, %arg2: memref<4x2048xf32, #tpu.memory_space<vmem>>, %arg3: memref<4x2048xf32, #tpu.memory_space<vmem>>) attributes {dimension_semantics = [#tpu.dimension_semantics<arbitrary>], iteration_bounds = array<i64: 7>, scalar_prefetch = 0 : i64, scratch_operands = 1 : i64, tpu.core_type = #tpu.core_type<tc>, window_params = [{transform_indices = @transform_0, window_bounds = array<i64: 4, 256, 2048>}, {pipeline_mode = #tpu.pipeline_mode<synchronous>, transform_indices = @transform_1, window_bounds = array<i64: 4, 2048>}]} {
    %get3A = arith.constant 0 : index
    %get3A_0 = arith.constant 0 : index
    %get3A_1 = arith.constant 0 : index
    %get3A_2 = vector.load %arg1[%get3A, %get3A_0, %get3A_1] : memref<4x256x2048xf32, #tpu.memory_space<vmem>>, vector<4x256x2048xf32>
    %reduce_sum3A = arith.constant dense<0.000000e+00> : vector<4x2048xf32>
    %reduce_sum3A_3 = vector.multi_reduction <add>, %get3A_2, %reduce_sum3A [1] : vector<4x256x2048xf32> to vector<4x2048xf32>
    %eq3A = arith.constant 0 : i32
    %eq3A_4 = arith.cmpi eq, %arg0, %eq3A : i32
    %convert_element_type3A = arith.extui %eq3A_4 : i1 to i32
    %cond3A = arith.constant 0 : i32
    %cond3A_5 = arith.cmpi ne, %convert_element_type3A, %cond3A : i32
    scf.if %cond3A_5 {
      %swap3A = arith.constant 0 : index
      %swap3A_15 = arith.constant 0 : index
      %swap3A_16 = vector.load %arg3[%swap3A, %swap3A_15] : memref<4x2048xf32, #tpu.memory_space<vmem>>, vector<4x2048xf32>
      tpu.vector_store %arg3[%swap3A, %swap3A_15], %reduce_sum3A_3 {strides = array<i32>} : memref<4x2048xf32, #tpu.memory_space<vmem>>, vector<4x2048xf32>,
    } else {
    }
    %gt3A = arith.constant 0 : i32
    %gt3A_6 = arith.cmpi sgt, %arg0, %gt3A : i32
    %convert_element_type3A_7 = arith.extui %gt3A_6 : i1 to i32
    %cond3A_8 = arith.constant 0 : i32
    %cond3A_9 = arith.cmpi ne, %convert_element_type3A_7, %cond3A_8 : i32
    scf.if %cond3A_9 {
      %get3A_15 = arith.constant 0 : index
      %get3A_16 = arith.constant 0 : index
      %get3A_17 = vector.load %arg3[%get3A_15, %get3A_16] : memref<4x2048xf32, #tpu.memory_space<vmem>>, vector<4x2048xf32>
      %add3A = arith.addf %get3A_17, %reduce_sum3A_3 : vector<4x2048xf32>
      %swap3A = arith.constant 0 : index
      %swap3A_18 = arith.constant 0 : index
      %swap3A_19 = vector.load %arg3[%swap3A, %swap3A_18] : memref<4x2048xf32, #tpu.memory_space<vmem>>, vector<4x2048xf32>
      tpu.vector_store %arg3[%swap3A, %swap3A_18], %add3A {strides = array<i32>} : memref<4x2048xf32, #tpu.memory_space<vmem>>, vector<4x2048xf32>,
    } else {
    }
    %eq3A_10 = arith.constant 6 : i32
    %eq3A_11 = arith.cmpi eq, %arg0, %eq3A_10 : i32
    %convert_element_type3A_12 = arith.extui %eq3A_11 : i1 to i32
    %cond3A_13 = arith.constant 0 : i32
    %cond3A_14 = arith.cmpi ne, %convert_element_type3A_12, %cond3A_13 : i32
    scf.if %cond3A_14 {
      %get3A_15 = arith.constant 0 : index
      %get3A_16 = arith.constant 0 : index
      %get3A_17 = vector.load %arg3[%get3A_15, %get3A_16] : memref<4x2048xf32, #tpu.memory_space<vmem>>, vector<4x2048xf32>
      %swap3A = arith.constant 0 : index
      %swap3A_18 = arith.constant 0 : index
      %swap3A_19 = vector.load %arg2[%swap3A, %swap3A_18] : memref<4x2048xf32, #tpu.memory_space<vmem>>, vector<4x2048xf32>
      tpu.vector_store %arg2[%swap3A, %swap3A_18], %get3A_17 {strides = array<i32>} : memref<4x2048xf32, #tpu.memory_space<vmem>>, vector<4x2048xf32>,
    } else {
    }
    return
  }
  func.func @transform_0(%arg0: i32) -> (i32, i32, i32) {
    %c0_i32 = arith.constant 0 : i32
    %c0_i32_0 = arith.constant 0 : i32
    %c0_i32_1 = arith.constant 0 : i32
    return %c0_i32, %arg0, %c0_i32_0 : i32, i32, i32
  }
  func.func @transform_1(%arg0: i32) -> (i32, i32) {
    %c0_i32 = arith.constant 0 : i32
    %c0_i32_0 = arith.constant 0 : i32
    %c0_i32_1 = arith.constant 0 : i32
    return %c0_i32, %c0_i32_0 : i32, i32
  }
}

module attributes {stable_mosaic.version = 14 : i64} {
  func.func @_router_finish_kernel(%arg0: memref<36x2048xf32, #tpu.memory_space<vmem>>, %arg1: memref<2048x256xf32, #tpu.memory_space<vmem>>, %arg2: memref<1x256xf32, #tpu.memory_space<vmem>>, %arg3: memref<1x256xf32, #tpu.memory_space<vmem>>, %arg4: memref<1x256xf32, #tpu.memory_space<vmem>>, %arg5: memref<256x16xf32, #tpu.memory_space<vmem>>, %arg6: memref<1x16xf32, #tpu.memory_space<vmem>>, %arg7: memref<4x16xf32, #tpu.memory_space<vmem>>) attributes {dimension_semantics = [], scalar_prefetch = 0 : i64, scratch_operands = 0 : i64, tpu.core_type = #tpu.core_type<tc>} {
    %get3A = arith.constant 0 : index
    %get3A_0 = arith.constant 0 : index
    %get3A_1 = vector.load %arg0[%get3A, %get3A_0] : memref<36x2048xf32, #tpu.memory_space<vmem>>, vector<36x2048xf32>
    %slice3A = vector.extract_strided_slice %get3A_1 {offsets = [0, 0], sizes = [32, 2048], strides = [1, 1]} : vector<36x2048xf32> to vector<32x2048xf32>
    %reshape3A = vector.shape_cast %slice3A : vector<32x2048xf32> to vector<4x8x2048xf32>
    %reduce_sum3A = arith.constant dense<0.000000e+00> : vector<4x2048xf32>
    %reduce_sum3A_2 = vector.multi_reduction <add>, %reshape3A, %reduce_sum3A [1] : vector<4x8x2048xf32> to vector<4x2048xf32>
    %slice3A_3 = vector.extract_strided_slice %get3A_1 {offsets = [32, 0], sizes = [4, 2048], strides = [1, 1]} : vector<36x2048xf32> to vector<4x2048xf32>
    %add3A = arith.addf %reduce_sum3A_2, %slice3A_3 : vector<4x2048xf32>
    %mul3A = arith.constant 4.8828125E-4 : f32
    %mul3A_4 = vector.broadcast %mul3A : f32 to vector<4x2048xf32>
    %mul3A_5 = arith.mulf %add3A, %mul3A_4 : vector<4x2048xf32>
    %get3A_6 = arith.constant 0 : index
    %get3A_7 = arith.constant 0 : index
    %get3A_8 = vector.load %arg1[%get3A_6, %get3A_7] : memref<2048x256xf32, #tpu.memory_space<vmem>>, vector<2048x256xf32>
    %dot_general3A = arith.constant dense<0.000000e+00> : vector<4x256xf32>
    %dot_general3A_9 = tpu.matmul %mul3A_5, %get3A_8, %dot_general3A {dimension_numbers = #tpu.dot_dimension_numbers<[1], [0], [0], [1], [0, 0, 1, 1], [], []>, precision = #tpu.contract_precision<fp32>, transpose_lhs_hint = false} : vector<4x2048xf32>, vector<2048x256xf32>, vector<4x256xf32> -> vector<4x256xf32>
    %get3A_10 = arith.constant 0 : index
    %get3A_11 = arith.constant 0 : index
    %get3A_12 = vector.load %arg2[%get3A_10, %get3A_11] : memref<1x256xf32, #tpu.memory_space<vmem>>, vector<1x256xf32>
    %add3A_13 = vector.broadcast %get3A_12 : vector<1x256xf32> to vector<4x256xf32>
    %add3A_14 = arith.addf %dot_general3A_9, %add3A_13 : vector<4x256xf32>
    %reduce_sum3A_15 = arith.constant dense<0.000000e+00> : vector<4xf32>
    %reduce_sum3A_16 = vector.multi_reduction <add>, %add3A_14, %reduce_sum3A_15 [1] : vector<4x256xf32> to vector<4xf32>
    %broadcast_in_dim3A = vector.shape_cast %reduce_sum3A_16 : vector<4xf32> to vector<4x1xf32>
    %div3A = arith.constant 2.560000e+02 : f32
    %div3A_17 = vector.broadcast %div3A : f32 to vector<4x1xf32>
    %div3A_18 = arith.divf %broadcast_in_dim3A, %div3A_17 : vector<4x1xf32>
    %sub3A = vector.broadcast %div3A_18 : vector<4x1xf32> to vector<4x256xf32>
    %sub3A_19 = arith.subf %add3A_14, %sub3A : vector<4x256xf32>
    %integer_pow3A = arith.mulf %sub3A_19, %sub3A_19 : vector<4x256xf32>
    %reduce_sum3A_20 = arith.constant dense<0.000000e+00> : vector<4xf32>
    %reduce_sum3A_21 = vector.multi_reduction <add>, %integer_pow3A, %reduce_sum3A_20 [1] : vector<4x256xf32> to vector<4xf32>
    %broadcast_in_dim3A_22 = vector.shape_cast %reduce_sum3A_21 : vector<4xf32> to vector<4x1xf32>
    %div3A_23 = arith.constant 2.560000e+02 : f32
    %div3A_24 = vector.broadcast %div3A_23 : f32 to vector<4x1xf32>
    %div3A_25 = arith.divf %broadcast_in_dim3A_22, %div3A_24 : vector<4x1xf32>
    %sub3A_26 = vector.broadcast %div3A_18 : vector<4x1xf32> to vector<4x256xf32>
    %sub3A_27 = arith.subf %add3A_14, %sub3A_26 : vector<4x256xf32>
    %add3A_28 = arith.constant 9.99999974E-6 : f32
    %add3A_29 = vector.broadcast %add3A_28 : f32 to vector<4x1xf32>
    %add3A_30 = arith.addf %div3A_25, %add3A_29 : vector<4x1xf32>
    %rsqrt3A = math.rsqrt %add3A_30 : vector<4x1xf32>
    %mul3A_31 = vector.broadcast %rsqrt3A : vector<4x1xf32> to vector<4x256xf32>
    %mul3A_32 = arith.mulf %sub3A_27, %mul3A_31 : vector<4x256xf32>
    %get3A_33 = arith.constant 0 : index
    %get3A_34 = arith.constant 0 : index
    %get3A_35 = vector.load %arg3[%get3A_33, %get3A_34] : memref<1x256xf32, #tpu.memory_space<vmem>>, vector<1x256xf32>
    %mul3A_36 = vector.broadcast %get3A_35 : vector<1x256xf32> to vector<4x256xf32>
    %mul3A_37 = arith.mulf %mul3A_32, %mul3A_36 : vector<4x256xf32>
    %get3A_38 = arith.constant 0 : index
    %get3A_39 = arith.constant 0 : index
    %get3A_40 = vector.load %arg4[%get3A_38, %get3A_39] : memref<1x256xf32, #tpu.memory_space<vmem>>, vector<1x256xf32>
    %add3A_41 = vector.broadcast %get3A_40 : vector<1x256xf32> to vector<4x256xf32>
    %add3A_42 = arith.addf %mul3A_37, %add3A_41 : vector<4x256xf32>
    %mul3A_43 = arith.constant 5.000000e-01 : f32
    %mul3A_44 = vector.broadcast %mul3A_43 : f32 to vector<4x256xf32>
    %mul3A_45 = arith.mulf %add3A_42, %mul3A_44 : vector<4x256xf32>
    %mul3A_46 = arith.constant 0.707106769 : f32
    %mul3A_47 = vector.broadcast %mul3A_46 : f32 to vector<4x256xf32>
    %mul3A_48 = arith.mulf %add3A_42, %mul3A_47 : vector<4x256xf32>
    %erf3A = math.erf %mul3A_48 : vector<4x256xf32>
    %add3A_49 = arith.constant 1.000000e+00 : f32
    %add3A_50 = vector.broadcast %add3A_49 : f32 to vector<4x256xf32>
    %add3A_51 = arith.addf %add3A_50, %erf3A : vector<4x256xf32>
    %mul3A_52 = arith.mulf %mul3A_45, %add3A_51 : vector<4x256xf32>
    %get3A_53 = arith.constant 0 : index
    %get3A_54 = arith.constant 0 : index
    %get3A_55 = vector.load %arg5[%get3A_53, %get3A_54] : memref<256x16xf32, #tpu.memory_space<vmem>>, vector<256x16xf32>
    %dot_general3A_56 = arith.constant dense<0.000000e+00> : vector<4x16xf32>
    %dot_general3A_57 = tpu.matmul %mul3A_52, %get3A_55, %dot_general3A_56 {dimension_numbers = #tpu.dot_dimension_numbers<[1], [0], [0], [1], [0, 0, 1, 1], [], []>, precision = #tpu.contract_precision<fp32>, transpose_lhs_hint = false} : vector<4x256xf32>, vector<256x16xf32>, vector<4x16xf32> -> vector<4x16xf32>
    %get3A_58 = arith.constant 0 : index
    %get3A_59 = arith.constant 0 : index
    %get3A_60 = vector.load %arg6[%get3A_58, %get3A_59] : memref<1x16xf32, #tpu.memory_space<vmem>>, vector<1x16xf32>
    %add3A_61 = vector.broadcast %get3A_60 : vector<1x16xf32> to vector<4x16xf32>
    %add3A_62 = arith.addf %dot_general3A_57, %add3A_61 : vector<4x16xf32>
    %iota3A = tpu.iota {dimensions = array<i32: 1>} : vector<4x16xi32>
    %reduce_max3A = arith.constant dense<0xFF800000> : vector<4xf32>
    %reduce_max3A_63 = vector.multi_reduction <maximumf>, %add3A_62, %reduce_max3A [1] : vector<4x16xf32> to vector<4xf32>
    %broadcast_in_dim3A_64 = vector.shape_cast %reduce_max3A_63 : vector<4xf32> to vector<4x1xf32>
    %eq3A = vector.broadcast %broadcast_in_dim3A_64 : vector<4x1xf32> to vector<4x16xf32>
    %eq3A_65 = arith.cmpf oeq, %add3A_62, %eq3A : vector<4x16xf32>
    %jit3A = arith.constant 16 : i32
    %broadcast_in_dim3A_66 = vector.broadcast %jit3A : i32 to vector<4x16xi32>
    %select_n3A = arith.select %eq3A_65, %iota3A, %broadcast_in_dim3A_66 : vector<4x16xi1>, vector<4x16xi32>
    %reduce_min3A = arith.constant dense<2147483647> : vector<4xi32>
    %reduce_min3A_67 = vector.multi_reduction <minsi>, %select_n3A, %reduce_min3A [1] : vector<4x16xi32> to vector<4xi32>
    %broadcast_in_dim3A_68 = vector.shape_cast %reduce_min3A_67 : vector<4xi32> to vector<4x1xi32>
    %eq3A_69 = vector.broadcast %broadcast_in_dim3A_68 : vector<4x1xi32> to vector<4x16xi32>
    %eq3A_70 = arith.cmpi eq, %iota3A, %eq3A_69 : vector<4x16xi32>
    %jit3A_71 = arith.constant 0xFF800000 : f32
    %broadcast_in_dim3A_72 = vector.broadcast %jit3A_71 : f32 to vector<4x16xf32>
    %select_n3A_73 = arith.select %eq3A_70, %broadcast_in_dim3A_72, %add3A_62 : vector<4x16xi1>, vector<4x16xf32>
    %reduce_max3A_74 = arith.constant dense<0xFF800000> : vector<4xf32>
    %reduce_max3A_75 = vector.multi_reduction <maximumf>, %select_n3A_73, %reduce_max3A_74 [1] : vector<4x16xf32> to vector<4xf32>
    %broadcast_in_dim3A_76 = vector.shape_cast %reduce_max3A_75 : vector<4xf32> to vector<4x1xf32>
    %eq3A_77 = vector.broadcast %broadcast_in_dim3A_76 : vector<4x1xf32> to vector<4x16xf32>
    %eq3A_78 = arith.cmpf oeq, %select_n3A_73, %eq3A_77 : vector<4x16xf32>
    %jit3A_79 = arith.constant 16 : i32
    %broadcast_in_dim3A_80 = vector.broadcast %jit3A_79 : i32 to vector<4x16xi32>
    %select_n3A_81 = arith.select %eq3A_78, %iota3A, %broadcast_in_dim3A_80 : vector<4x16xi1>, vector<4x16xi32>
    %reduce_min3A_82 = arith.constant dense<2147483647> : vector<4xi32>
    %reduce_min3A_83 = vector.multi_reduction <minsi>, %select_n3A_81, %reduce_min3A_82 [1] : vector<4x16xi32> to vector<4xi32>
    %broadcast_in_dim3A_84 = vector.shape_cast %reduce_min3A_83 : vector<4xi32> to vector<4x1xi32>
    %sub3A_85 = arith.subf %broadcast_in_dim3A_76, %broadcast_in_dim3A_64 : vector<4x1xf32>
    %mul3A_86 = arith.constant 1.000000e+00 : f32
    %mul3A_87 = vector.broadcast %mul3A_86 : f32 to vector<4x1xf32>
    %mul3A_88 = arith.mulf %sub3A_85, %mul3A_87 : vector<4x1xf32>
    %exp3A = math.exp %mul3A_88 : vector<4x1xf32>
    %add3A_89 = arith.constant 1.000000e+00 : f32
    %add3A_90 = vector.broadcast %add3A_89 : f32 to vector<4x1xf32>
    %add3A_91 = arith.addf %add3A_90, %exp3A : vector<4x1xf32>
    %div3A_92 = arith.constant 1.000000e+00 : f32
    %div3A_93 = vector.broadcast %div3A_92 : f32 to vector<4x1xf32>
    %div3A_94 = arith.divf %div3A_93, %add3A_91 : vector<4x1xf32>
    %add3A_95 = arith.constant 1.000000e+00 : f32
    %add3A_96 = vector.broadcast %add3A_95 : f32 to vector<4x1xf32>
    %add3A_97 = arith.addf %add3A_96, %exp3A : vector<4x1xf32>
    %div3A_98 = arith.divf %exp3A, %add3A_97 : vector<4x1xf32>
    %eq3A_99 = vector.broadcast %broadcast_in_dim3A_68 : vector<4x1xi32> to vector<4x16xi32>
    %eq3A_100 = arith.cmpi eq, %iota3A, %eq3A_99 : vector<4x16xi32>
    %eq3A_101 = vector.broadcast %broadcast_in_dim3A_84 : vector<4x1xi32> to vector<4x16xi32>
    %eq3A_102 = arith.cmpi eq, %iota3A, %eq3A_101 : vector<4x16xi32>
    %jit3A_103 = arith.constant 0.000000e+00 : f32
    %broadcast_in_dim3A_104 = vector.shape_cast %div3A_98 : vector<4x1xf32> to vector<4x1xf32>
    %broadcast_in_dim3A_105 = vector.broadcast %broadcast_in_dim3A_104 : vector<4x1xf32> to vector<4x16xf32>
    %broadcast_in_dim3A_106 = vector.broadcast %jit3A_103 : f32 to vector<4x16xf32>
    %select_n3A_107 = arith.select %eq3A_102, %broadcast_in_dim3A_105, %broadcast_in_dim3A_106 : vector<4x16xi1>, vector<4x16xf32>
    %broadcast_in_dim3A_108 = vector.shape_cast %div3A_94 : vector<4x1xf32> to vector<4x1xf32>
    %broadcast_in_dim3A_109 = vector.broadcast %broadcast_in_dim3A_108 : vector<4x1xf32> to vector<4x16xf32>
    %select_n3A_110 = arith.select %eq3A_100, %broadcast_in_dim3A_109, %select_n3A_107 : vector<4x16xi1>, vector<4x16xf32>
    %swap3A = arith.constant 0 : index
    %swap3A_111 = arith.constant 0 : index
    %swap3A_112 = vector.load %arg7[%swap3A, %swap3A_111] : memref<4x16xf32, #tpu.memory_space<vmem>>, vector<4x16xf32>
    tpu.vector_store %arg7[%swap3A, %swap3A_111], %select_n3A_110 {strides = array<i32>} : memref<4x16xf32, #tpu.memory_space<vmem>>, vector<4x16xf32>,
    return
  }
}

</mosaic_0001>

<sc_bundles>
// kernel: sc_mean_pool.3.cloned.1.call-start
scs
__scs_entry_jumppad:
0x0: {  	(pc) =	sbr.rel $0x88, $3  }
0x1: {  	(tag) =	ssettag $0x0;
	lr =	simm.s32 $0x1  }
0x2: {  	[smem:$0x3F9A] =	sst lr;
	_ =	strace $0xD0000000  }
0x3: {  	_ = 	snop  }
0x4: {  	_ = 	snop  }
0x5: {  	_ = 	snop  }
0x6: {  	_ = 	snop  }
0x7: {  	_ = 	snop  }
__scs_overlays_trampoline_lowered:
0x8: {  	[smem:$0x3FA9] =	sst s0  }
0x9: {  	[smem:$0x3FAA] =	sst s1  }
0xa: {  	[smem:$0x3FAB] =	sst s2  }
0xb: {  	[smem:$0x3FAC] =	sst s3  }
0xc: {  	[smem:$0x3FAD] =	sst s4  }
0xd: {  	[smem:$0x3FAE] =	sst s5  }
0xe: {  	[smem:$0x3FAF] =	sst s6  }
0xf: {  	[smem:$0x3FB0] =	sst s7  }
0x10: {  	[smem:$0x3FB1] =	sst s8  }
0x11: {  	[smem:$0x3FB2] =	sst s9;
	s0 =	simm.s32 @!p0 $0x0  }
0x12: {  	s1 =	sld [smem:$0x3F98];
	s0 =	simm.s32 @p0 $0x1  }
0x13: {  	[smem:$0x3FB3] =	sst s0;
	s0 =	simm.s32 @!p1 $0x0  }
0x14: {  	s2 =	sld [smem:$0x3F97];
	s0 =	simm.s32 @p1 $0x1  }
0x15: {  	[smem:$0x3FB4] =	sst s0;
	s0 =	simm.s32 @!p2 $0x0  }
0x16: {  	s3 =	sld [smem:$0x3FDB];
	s0 =	simm.s32 @p2 $0x1  }
0x17: {  	s4 =	simm.s32 $0x1BF5;
	[smem:$0x3FB6] =	sst s0  }
0x18: {  	s0 =	sld [smem:$0x3F99];
	_ =	swait.ge [sflag:s4], $0x0  }
0x19: {  	s7 =	sld [smem:$0x3F9A]  }
0x1a: {  	s8 =	sadd.s32 $0xFFFFE003, lr  }
0x1b: {  	s9 =	sadd.s32 $0xFFFFFEF7, lr;
	s5 =	simm.s32 $0xFFFFFFFF;
	p2 =	slt.u32 s8, $0xFFFFF086  }
0x1c: {  	p1 =	slt.u32 s9, $0xF7A;
	s5 =	simm.s32 @!p2 $0x0  }
0x1d: {  	s5 =	simm.s32 @p1 $0x1;
	p0 =	seq.s32 s7, s2  }
0x1e: {  	s7 =	smul.u32 @!p0 $0xF7A, s2;
	p2 =	seq.s32 @!p0 s5, $0x0  }
0x1f: {  	s9 =	smul.u32 $0xF7A, s1;
	s8 =	simm.s32 @!p0 $0x1BF5;
	p2 =	por !p2, p0  }
0x20: {  	[sflag:s8] =	ssyncset.s32 @!p0 $0xFFFFF086;
	s6 =	sadd.s32 @!p0 s3, s7;
	s7 =	simm.s32 @!p0 $0x108  }
0x21: {  	s3 =	sadd.s32 s3, s9;
	s6 =	sadd.s32 @!p0 $0x88, s6;
	s7 =	simm.s32 @p2 $0x1082  }
0x22: {  	[simem:s7], [sflag:s8] =	dma.local @!p0 [hbm:s6], $0xF7A  }
0x23: {  	s9 =	sor.u32 $0xD0000000, s2;
	s6 =	simm.s32 $0x108;
	_ =	swait.ge @!p0 [sflag:s8], $0x0  }
0x24: {  	s3 =	sadd.s32 $0x88, s3;
	s6 =	simm.s32 @!p1 $0x1082;
	[sflag:s4] =	ssyncset.s32 $0xFFFFF086  }
0x25: {  	[simem:s6], [sflag:s4] =	dma.local [hbm:s3], $0xF7A  }
0x26: {  	[smem:$0x3F9A] =	sst s1;
	(tag) =	ssettag s2;
	_ =	strace s9  }
0x27: {  	s1 =	sld [smem:$0x3FAA]  }
0x28: {  	s2 =	sld [smem:$0x3FAB]  }
0x29: {  	s4 =	sld [smem:$0x3FAD]  }
0x2a: {  	p0 =	seq.s32 s5, $0x0;
	s5 =	sld [smem:$0x3FAE]  }
0x2b: {  	s6 =	sld [smem:$0x3FAF]  }
0x2c: {  	s7 =	sld [smem:$0x3FB0]  }
0x2d: {  	s3 =	simm.s32 $0x108;
	s8 =	sld [smem:$0x3FB1]  }
0x2e: {  	s3 =	simm.s32 @!p0 $0x1082;
	s9 =	sld [smem:$0x3FB2]  }
0x2f: {  	lr =	sadd.s32 s0, s3;
	s0 =	sld [smem:$0x3FA9]  }
0x30: {  	s3 =	sld [smem:$0x3FAC]  }
0x31: {  	[smem:$0x3FB5] =	sst s10  }
0x32: {  	s10 =	sld [smem:$0x3FB3];
	_ =	sdelay $0x3  }
0x33: {  	p0 =	seq.s32 s10, $0x1;
	s10 =	sld [smem:$0x3FB5];
	_ =	sdelay $0x3  }
0x34: {  	[smem:$0x3FB5] =	sst s10  }
0x35: {  	s10 =	sld [smem:$0x3FB4];
	_ =	sdelay $0x3  }
0x36: {  	p1 =	seq.s32 s10, $0x1;
	s10 =	sld [smem:$0x3FB5];
	_ =	sdelay $0x3  }
0x37: {  	[smem:$0x3FB5] =	sst s10  }
0x38: {  	s10 =	sld [smem:$0x3FB6]  }
0x39: {  	_ = 	snop;
	(pc) =	sbr.ind lr, $3  }
0x3a: {  	_ = 	snop  }
0x3b: {  	_ = 	snop  }
0x3c: {  	p2 =	seq.s32 s10, $0x1;
	s10 =	sld [smem:$0x3FB5]  }
0x3d: {  	_ =	shalt  }
0x3e: {  	_ =	shalt  }
0x3f: {  	_ =	shalt  }
0x40: {  	_ =	shalt  }
0x41: {  	_ =	shalt  }
0x42: {  	_ =	shalt  }
0x43: {  	_ =	shalt  }
0x44: {  	_ =	shalt  }
0x45: {  	_ =	shalt  }
0x46: {  	_ =	shalt  }
0x47: {  	_ =	shalt  }
0x48: {  	_ =	shalt  }
0x49: {  	_ =	shalt  }
0x4a: {  	_ =	shalt  }
0x4b: {  	_ =	shalt  }
0x4c: {  	_ =	shalt  }
0x4d: {  	_ =	shalt  }
0x4e: {  	_ =	shalt  }
0x4f: {  	_ =	shalt  }
0x50: {  	_ =	shalt  }
0x51: {  	_ =	shalt  }
0x52: {  	_ =	shalt  }
0x53: {  	_ =	shalt  }
0x54: {  	_ =	shalt  }
0x55: {  	_ =	shalt  }
0x56: {  	_ =	shalt  }
0x57: {  	_ =	shalt  }
0x58: {  	_ =	shalt  }
0x59: {  	_ =	shalt  }
0x5a: {  	_ =	shalt  }
0x5b: {  	_ =	shalt  }
0x5c: {  	_ =	shalt  }
0x5d: {  	_ =	shalt  }
0x5e: {  	_ =	shalt  }
0x5f: {  	_ =	shalt  }
0x60: {  	_ =	shalt  }
0x61: {  	_ =	shalt  }
0x62: {  	_ =	shalt  }
0x63: {  	_ =	shalt  }
0x64: {  	_ =	shalt  }
0x65: {  	_ =	shalt  }
0x66: {  	_ =	shalt  }
0x67: {  	_ =	shalt  }
0x68: {  	_ =	shalt  }
0x69: {  	_ =	shalt  }
0x6a: {  	_ =	shalt  }
0x6b: {  	_ =	shalt  }
0x6c: {  	_ =	shalt  }
0x6d: {  	_ =	shalt  }
0x6e: {  	_ =	shalt  }
0x6f: {  	_ =	shalt  }
0x70: {  	_ =	shalt  }
0x71: {  	_ =	shalt  }
0x72: {  	_ =	shalt  }
0x73: {  	_ =	shalt  }
0x74: {  	_ =	shalt  }
0x75: {  	_ =	shalt  }
0x76: {  	_ =	shalt  }
0x77: {  	_ =	shalt  }
0x78: {  	_ =	shalt  }
0x79: {  	_ =	shalt  }
0x7a: {  	_ =	shalt  }
0x7b: {  	_ =	shalt  }
0x7c: {  	_ =	shalt  }
0x7d: {  	_ =	shalt  }
0x7e: {  	_ =	shalt  }
0x7f: {  	_ =	shalt  }
0x80: {  	_ =	shalt  }
0x81: {  	_ =	shalt  }
0x82: {  	_ =	shalt  }
0x83: {  	_ =	shalt  }
0x84: {  	_ =	shalt  }
0x85: {  	_ =	shalt  }
0x86: {  	_ =	shalt  }
0x87: {  	_ =	shalt  }
.Lfunc_end0:
.L_simem_size_0:
called_computation_lowered:
.L_overlay_start_0:
0x88: {  	s2 =	sld [smem:$0x3FD9]  }
0x89: {  	s3 =	sld [smem:$0x3FFE];
	_ =	sdelay $0x1  }
0x8a: {  	s1 =	srdreg.scid  }
0x8b: {  	s0 =	sand.u32 $0x1, s1  }
0x8c: {  	s17 =	sshll.u32 s0, $0xA;
	s2 =	sadd.s32 s3, s2  }
0x8d: {  	s2 =	sadd.s32 s2, s17  }
0x8e: {  	[smem:$0x3FC1] =	sst s2  }
0x8f: {  	_ = 	snop  }
0x90: {  	s2 =	sld [smem:$0x3FC9];
	(tm) =	ssettm $0x1  }
0x91: {  	s18 =	sld [smem:$0x3FFB];
	_ =	sdelay $0x3  }
0x92: {  	_ =	strace s18  }
0x93: {  	s3 =	sld [smem:$0x3FFC];
	_ =	sdelay $0x3  }
0x94: {  	_ =	strace s3  }
0x95: {  	s3 =	sld [smem:$0x3FFD];
	_ =	sdelay $0x3  }
0x96: {  	_ =	strace s3  }
0x97: {  	_ =	strace $0x8FFFFFFF  }
0x98: {  	s19 =	sld [smem:$0x3FDB];
	_ =	sdelay $0x1  }
0x99: {  	s4 =	simm.s32 $_scs_section_size  }
0x9a: {  	s5 =	simm.s32 $_size__tile_overlayer_lowered;
	s6 =	simm.s32 $_tile_overlayer_lowered  }
0x9b: {  	s22 =	simm.s32 $0x1BFF;
	s21 =	sshll.u32 s6, $0x1;
	s3 =	sadd.s32 s4, s19  }
0x9c: {  	s7 =	simm.s32 $0x0;
	s20 =	sshll.u32 s5, $0x1;
	s5 =	sadd.s32 s21, s3  }
0x9d: {  	[timem:s7], [sflag:s22] =	dma.local [hbm:s5], s20  }
0x9e: {  	_ =	swait.ge [sflag:s22], s20  }
0x9f: {  	s4 =	ssub.s32 $0x0, s20;
	[sflag:s22] =	ssyncset.done $0x0  }
0xa0: {  	[sflag:s22] =	ssyncadd.s32 s4;
	_ =	sdelay $0x1  }
0xa1: {  	s23 =	simm.s32 $0x1B8B  }
0xa2: {  	_ =	swait.ge [sflag:s23], $0x1  }
0xa3: {  	[sflag:s23] =	ssyncset.done $0x0  }
0xa4: {  	s25 =	simm.s32 $0x1B8E;
	s24 =	sld [smem:$0x3FFE];
	[sflag:s23] =	ssyncadd.s32 $0xFFFFFFFF  }
0xa5: {  	s26 =	simm.s32 $execute0_lowered;
	[smem:$0x3FD2] =	sst s25  }
0xa6: {  	s5 =	sshll.u32 s26, $0x1;
	_ =	strace $0x80000046;
	[dreg:$0x1] =	wrdreg $0xFFFFFFFF  }
0xa7: {  	s28 =	simm.s32 $_size_execute0_lowered;
	s3 =	sadd.s32 s3, s5;
	[dreg:$0x0] =	wrdreg $0x0  }
0xa8: {  	s5 =	sshll.u32 s28, $0x1;
	[dreg:$0x2] =	wrdreg s3  }
0xa9: {  	[dreg:$0x3] =	wrdreg s5  }
0xaa: {  	[dreg:$0x4] =	wrdreg $0xC0  }
0xab: {  	_ =	task [dreg:s7], $0x5FFFF  }
0xac: {  	[dreg:$0x1] =	wrdreg $0xFFFFFFFF  }
0xad: {  	[dreg:$0x0] =	wrdreg $0x60  }
0xae: {  	[dreg:$0x2] =	wrdreg s2  }
0xaf: {  	[dreg:$0x3] =	wrdreg s24  }
0xb0: {  	[dreg:$0x4] =	wrdreg $0x9  }
0xb1: {  	_ =	task.clear_ibuf [dreg:s7], $0x5FFFF;
	_ =	strace $0x90000046  }
0xb2: {  	s29 =	simm.s32 $0x9;
	_ =	strace $0x80000048  }
0xb3: {  	_ =	swait.ge [sflag:s29], $0x1  }
0xb4: {  	[sflag:s29] =	ssyncadd.s32 $0xFFFFFFFF  }
0xb5: {  	_ =	strace $0x90000048  }
0xb6: {  	_ =	sfence  }
0xb7: {  	s30 =	sld [smem:$0x0];
	_ =	sdelay $0x2  }
0xb8: {  	s31 =	sshll.u32 s1, $0xD;
	s1 =	sshrl.u32 s1, $0x2  }
0xb9: {  	s3 =	sand.u32 $0x4000, s31;
	s1 =	sadd.s32 s1, s30  }
0xba: {  	s0 =	sor.u32 s3, s0;
	s1 =	sshll.u32 s1, $0x11  }
0xbb: {  	s0 =	sor.u32 s1, s0  }
0xbc: {  	s0 =	sadd.s32 $0x8F2B, s0  }
0xbd: {  	[sflag:s0] =	ssyncadd.remote.s32 $0x1  }
0xbe: {  	_ =	sfence.sel $0xFFFF  }
0xbf: {  	[dreg:$0x0] =	wrdreg $0xFFFFFFFF;
	(pc) =	sbr.abs _section_cstart, $3  }
0xc0: {  	[dreg:$0x1] =	wrdreg $0xFFFFFFFF  }
0xc1: {  	_ =	task.clear_ibuf [dreg:s7], $0x2FFFF;
	_ =	strace $0x9FFFFFFF  }
0xc2: {  	(tm) =	ssettm $0x7FFFFFFF  }
0xc3: {  	_ =	shalt  }
tec
execute0_lowered:
.L_overlay_start_1:
0x0: {  	(tag) =	ssettag $0x1  }
0x1: {  	s3 =	rddreg [dreg:$0x0]  }
0x2: {  	s4 =	rddreg [dreg:$0x1]  }
0x3: {  	s0 =	rddreg [dreg:$0x2];
	s2 =	simm.s32 $0x0  }
0x4: {  	s1 =	stileid.u32;
	s5 =	srdreg.scid;
	s9 =	simm.s32 $0x2  }
0x5: {  	s10 =	simm.s32 $0x80;
	s11 =	simm.s32 $0x400;
	s12 =	simm.s32 $0x10000  }
0x6: {  	s13 =	simm.s32 $0x3;
	s14 =	simm.s32 $0x0;
	[smem:$0x7FF] =	sst s2  }
0x7: {  	s6 =	sshll.u32 s1, $0x9;
	s5 =	sand.u32 $0x1, s5;
	s7 =	sshll.u32 s1, $0x1  }
0x8: {  	s28 =	sshll.u32 s1, $0x11;
	_ =	strace $0x80000047;
	s6 =	sand.u32 $0x1800, s6  }
0x9: {  	s7 =	sor.u32 s5, s7;
	s5 =	ssub.s32 $0x2, s5;
	s4 =	sadd.s32 s6, s4  }
0xa: {  	s8 =	sshll.u32 s7, $0xD;
	s7 =	sshll.u32 s7, $0x4;
	s29 =	sshrl.u32 s5, $0x1  }
0xb: {  	s6 =	sor.u32 s28, s8;
	s7 =	sand.u32 $0x70, s7;
	s8 =	ssub.s32 s5, s29  }
0xc: {  	s6 =	sand.u32 $0x18E000, s6;
	s31 =	sadd.s32 s7, s4;
	s7 =	simm.s32 $0x8000  }
0xd: {  	s30 =	sadd.s32 s6, s3;
	s5 =	sadd.s32 $0x1000, s31;
	s6 =	smax.u32 s8, $0x1  }
0xe: {  	s8 =	simm.s32 $0x1;
	s3 =	sadd.s32 $0x70000, s30;
	s4 =	sadd.s32 $0x71000, s30  }
.LBB2_1:
0xf: {  	[tilespmem:s2], [sflag:$0x1] =	stream.linear.gather [hbm4b:s3+s2], $0x8000, $0x38;
	[tilespmem:$0x10800] =	vst v63  }
0x10: {  	_ = 	snop  }
0x11: {  	[tilespmem:s7], [sflag:$0x2] =	stream.linear.gather [hbm4b:s4+s2], $0x8000, $0x38;
	[tilespmem:$0x10800] =	vst v63  }
0x12: {  	_ =	swait.ge [sflag:s8], $0x8000  }
0x13: {  	s15 =	sand.u32 $0x70, s2;
	s16 =	sand.u32 $0x3C00, s2;
	[sflag:s8] =	ssyncset.done $0x0  }
0x14: {  	s15 =	sor.u32 s15, s16;
	[sflag:s8] =	ssyncadd.s32 $0xFFFF8000  }
0x15: {  	v0 =	vld [tilespmem:s15+$0x80]  }
0x16: {  	v1 =	vld [tilespmem:s15+$0x0];
	_ =	sdelay $0x1  }
0x17: {  	v2 =	vld [tilespmem:s15+$0x100];
	_ =	sdelay $0x1  }
0x18: {  	v3 =	vld [tilespmem:s15+$0x180]  }
0x19: {  	v0 =	vadd.f32 v0, v1  }
0x1a: {  	v52 =	vld [tilespmem:s15+$0x200]  }
0x1b: {  	v0 =	vadd.f32 v2, v0  }
0x1c: {  	v53 =	vld [tilespmem:s15+$0x280]  }
0x1d: {  	v0 =	vadd.f32 v3, v0  }
0x1e: {  	v54 =	vld [tilespmem:s15+$0x300]  }
0x1f: {  	v0 =	vadd.f32 v52, v0  }
0x20: {  	v55 =	vld [tilespmem:s15+$0x380]  }
0x21: {  	v0 =	vadd.f32 v53, v0  }
0x22: {  	v56 =	vld [tilespmem:s15+$0x4000]  }
0x23: {  	v0 =	vadd.f32 v54, v0  }
0x24: {  	v57 =	vld [tilespmem:s15+$0x4080]  }
0x25: {  	v0 =	vadd.f32 v55, v0  }
0x26: {  	v58 =	vld [tilespmem:s15+$0x4100]  }
0x27: {  	v0 =	vadd.f32 v56, v0  }
0x28: {  	v59 =	vld [tilespmem:s15+$0x4180]  }
0x29: {  	v0 =	vadd.f32 v57, v0  }
0x2a: {  	v60 =	vld [tilespmem:s15+$0x4200]  }
0x2b: {  	v0 =	vadd.f32 v58, v0  }
0x2c: {  	v61 =	vld [tilespmem:s15+$0x4280]  }
0x2d: {  	v0 =	vadd.f32 v59, v0  }
0x2e: {  	v62 =	vld [tilespmem:s15+$0x4300]  }
0x2f: {  	v0 =	vadd.f32 v60, v0  }
0x30: {  	v63 =	vld [tilespmem:s15+$0x4380]  }
0x31: {  	v0 =	vadd.f32 v61, v0;
	_ =	sdelay $0x1  }
0x32: {  	v0 =	vadd.f32 v62, v0;
	_ =	sdelay $0x1  }
0x33: {  	s30 =	simm.s32 $0x10;
	s17 =	simm.s32 $0x80;
	v0 =	vadd.f32 v63, v0  }
0x34: {  	s31 =	sand.u32 $0x3C00, s17;
	s15 =	sand.u32 $0x70, s30  }
0x35: {  	s18 =	simm.s32 $0x20;
	s16 =	sor.u32 s15, s31;
	s15 =	simm.s32 $0x10000;
	[tilespmem:s12+$0x0] =	vst v0  }
.LBB2_2:
0x36: {  	p0 =	sne.s32 s18, $0x7F0;
	v0 =	vld [tilespmem:s16+$0x80]  }
0x37: {  	v1 =	vld [tilespmem:s16+$0x0];
	_ =	sdelay $0x1  }
0x38: {  	v2 =	vld [tilespmem:s16+$0x100];
	_ =	sdelay $0x1  }
0x39: {  	v3 =	vld [tilespmem:s16+$0x180]  }
0x3a: {  	v0 =	vadd.f32 v0, v1  }
0x3b: {  	v1 =	vld [tilespmem:s16+$0x200]  }
0x3c: {  	v0 =	vadd.f32 v2, v0  }
0x3d: {  	v2 =	vld [tilespmem:s16+$0x280]  }
0x3e: {  	v0 =	vadd.f32 v3, v0  }
0x3f: {  	v3 =	vld [tilespmem:s16+$0x300]  }
0x40: {  	v0 =	vadd.f32 v1, v0  }
0x41: {  	v1 =	vld [tilespmem:s16+$0x380]  }
0x42: {  	v0 =	vadd.f32 v2, v0  }
0x43: {  	v2 =	vld [tilespmem:s16+$0x4000]  }
0x44: {  	v0 =	vadd.f32 v3, v0  }
0x45: {  	v3 =	vld [tilespmem:s16+$0x4080]  }
0x46: {  	v0 =	vadd.f32 v1, v0  }
0x47: {  	v1 =	vld [tilespmem:s16+$0x4100]  }
0x48: {  	v0 =	vadd.f32 v2, v0  }
0x49: {  	v2 =	vld [tilespmem:s16+$0x4180]  }
0x4a: {  	v0 =	vadd.f32 v3, v0  }
0x4b: {  	v3 =	vld [tilespmem:s16+$0x4200]  }
0x4c: {  	v0 =	vadd.f32 v1, v0  }
0x4d: {  	v1 =	vld [tilespmem:s16+$0x4280]  }
0x4e: {  	v0 =	vadd.f32 v2, v0  }
0x4f: {  	v2 =	vld [tilespmem:s16+$0x4300]  }
0x50: {  	v0 =	vadd.f32 v3, v0  }
0x51: {  	v3 =	vld [tilespmem:s16+$0x4380]  }
0x52: {  	v0 =	vadd.f32 v1, v0;
	_ =	sdelay $0x1  }
.Ltmp0:
0x53: {  	v0 =	vadd.f32 v2, v0;
	(pc) =	sbr.rel @p0 .LBB2_2-.Ltmp0, $4  }
0x54: {  	_ = 	snop  }
0x55: {  	s17 =	sadd.s32 $0x80, s17;
	v0 =	vadd.f32 v3, v0  }
0x56: {  	s15 =	sadd.s32 $0x10, s15;
	s19 =	sand.u32 $0x3C00, s17;
	s16 =	sand.u32 $0x70, s18  }
0x57: {  	s18 =	sadd.s32 $0x10, s18;
	s16 =	sor.u32 s16, s19;
	[tilespmem:s15+$0x0] =	vst v0  }
0x58: {  	v0 =	vld [tilespmem:s16+$0x80]  }
0x59: {  	v1 =	vld [tilespmem:s16+$0x0];
	_ =	sdelay $0x1  }
0x5a: {  	v2 =	vld [tilespmem:s16+$0x100];
	_ =	sdelay $0x1  }
0x5b: {  	v3 =	vld [tilespmem:s16+$0x180]  }
0x5c: {  	v0 =	vadd.f32 v0, v1  }
0x5d: {  	v35 =	vld [tilespmem:s16+$0x200]  }
0x5e: {  	v0 =	vadd.f32 v2, v0  }
0x5f: {  	v36 =	vld [tilespmem:s16+$0x280]  }
0x60: {  	v0 =	vadd.f32 v3, v0  }
0x61: {  	v37 =	vld [tilespmem:s16+$0x300]  }
0x62: {  	v0 =	vadd.f32 v35, v0  }
0x63: {  	v38 =	vld [tilespmem:s16+$0x380]  }
0x64: {  	v0 =	vadd.f32 v36, v0  }
0x65: {  	v39 =	vld [tilespmem:s16+$0x4000]  }
0x66: {  	v0 =	vadd.f32 v37, v0  }
0x67: {  	v40 =	vld [tilespmem:s16+$0x4080]  }
0x68: {  	v0 =	vadd.f32 v38, v0  }
0x69: {  	v41 =	vld [tilespmem:s16+$0x4100]  }
0x6a: {  	v0 =	vadd.f32 v39, v0  }
0x6b: {  	v42 =	vld [tilespmem:s16+$0x4180]  }
0x6c: {  	v0 =	vadd.f32 v40, v0  }
0x6d: {  	v43 =	vld [tilespmem:s16+$0x4200]  }
0x6e: {  	v0 =	vadd.f32 v41, v0  }
0x6f: {  	v44 =	vld [tilespmem:s16+$0x4280]  }
0x70: {  	v0 =	vadd.f32 v42, v0  }
0x71: {  	v45 =	vld [tilespmem:s16+$0x4300]  }
0x72: {  	v0 =	vadd.f32 v43, v0  }
0x73: {  	v46 =	vld [tilespmem:s16+$0x4380]  }
0x74: {  	v0 =	vadd.f32 v44, v0;
	_ =	sdelay $0x1  }
0x75: {  	v0 =	vadd.f32 v45, v0;
	_ =	sdelay $0x1  }
0x76: {  	v0 =	vadd.f32 v46, v0  }
0x77: {  	s15 =	sadd.s32 $0x10, s15  }
0x78: {  	[tilespmem:s15+$0x0] =	vst v0  }
0x79: {  	s29 =	simm.s32 $0x0;
	_ =	swait.ge [sflag:s9], $0x8000  }
0x7a: {  	s30 =	sand.u32 $0x70, s29;
	s15 =	sand.u32 $0x3C00, s29;
	[sflag:s9] =	ssyncset.done $0x0  }
0x7b: {  	s15 =	sor.u32 s30, s15;
	[sflag:s9] =	ssyncadd.s32 $0xFFFF8000  }
0x7c: {  	v47 =	vld [tilespmem:s15+$0x8080]  }
0x7d: {  	v48 =	vld [tilespmem:s15+$0x8000];
	_ =	sdelay $0x1  }
0x7e: {  	v49 =	vld [tilespmem:s15+$0x8100];
	_ =	sdelay $0x1  }
0x7f: {  	v50 =	vld [tilespmem:s15+$0x8180]  }
0x80: {  	v0 =	vadd.f32 v47, v48  }
0x81: {  	v51 =	vld [tilespmem:s15+$0x8200]  }
0x82: {  	v0 =	vadd.f32 v49, v0  }
0x83: {  	v52 =	vld [tilespmem:s15+$0x8280]  }
0x84: {  	v0 =	vadd.f32 v50, v0  }
0x85: {  	v53 =	vld [tilespmem:s15+$0x8300]  }
0x86: {  	v0 =	vadd.f32 v51, v0  }
0x87: {  	v54 =	vld [tilespmem:s15+$0x8380]  }
0x88: {  	v0 =	vadd.f32 v52, v0  }
0x89: {  	v55 =	vld [tilespmem:s15+$0xC000]  }
0x8a: {  	v0 =	vadd.f32 v53, v0  }
0x8b: {  	v56 =	vld [tilespmem:s15+$0xC080]  }
0x8c: {  	v0 =	vadd.f32 v54, v0  }
0x8d: {  	v57 =	vld [tilespmem:s15+$0xC100]  }
0x8e: {  	v0 =	vadd.f32 v55, v0  }
0x8f: {  	v58 =	vld [tilespmem:s15+$0xC180]  }
0x90: {  	v0 =	vadd.f32 v56, v0  }
0x91: {  	v59 =	vld [tilespmem:s15+$0xC200]  }
0x92: {  	v0 =	vadd.f32 v57, v0  }
0x93: {  	v60 =	vld [tilespmem:s15+$0xC280]  }
0x94: {  	v0 =	vadd.f32 v58, v0  }
0x95: {  	v61 =	vld [tilespmem:s15+$0xC300]  }
0x96: {  	v0 =	vadd.f32 v59, v0  }
0x97: {  	v62 =	vld [tilespmem:s15+$0xC380]  }
0x98: {  	s15 =	simm.s32 $0x10000;
	v0 =	vadd.f32 v60, v0  }
0x99: {  	v63 =	vld [tilespmem:s15+$0x0]  }
0x9a: {  	v0 =	vadd.f32 v61, v0;
	_ =	sdelay $0x1  }
0x9b: {  	v0 =	vadd.f32 v62, v0;
	_ =	sdelay $0x1  }
0x9c: {  	s31 =	simm.s32 $0x10;
	s17 =	simm.s32 $0x80;
	v0 =	vadd.f32 v0, v63  }
0x9d: {  	s16 =	sand.u32 $0x70, s31;
	s18 =	sand.u32 $0x3C00, s17  }
0x9e: {  	s16 =	sor.u32 s16, s18;
	s18 =	simm.s32 $0x20;
	[tilespmem:s15+$0x0] =	vst v0  }
.LBB2_4:
0x9f: {  	p0 =	sne.s32 s18, $0x7F0;
	v0 =	vld [tilespmem:s16+$0x8080]  }
0xa0: {  	v1 =	vld [tilespmem:s16+$0x8000];
	_ =	sdelay $0x1  }
0xa1: {  	v2 =	vld [tilespmem:s16+$0x8100];
	_ =	sdelay $0x1  }
0xa2: {  	v3 =	vld [tilespmem:s16+$0x8180]  }
0xa3: {  	v0 =	vadd.f32 v0, v1  }
0xa4: {  	v1 =	vld [tilespmem:s16+$0x8200]  }
0xa5: {  	v0 =	vadd.f32 v2, v0  }
0xa6: {  	v2 =	vld [tilespmem:s16+$0x8280]  }
0xa7: {  	v0 =	vadd.f32 v3, v0  }
0xa8: {  	v3 =	vld [tilespmem:s16+$0x8300]  }
0xa9: {  	v0 =	vadd.f32 v1, v0  }
0xaa: {  	v1 =	vld [tilespmem:s16+$0x8380]  }
0xab: {  	v0 =	vadd.f32 v2, v0  }
0xac: {  	v2 =	vld [tilespmem:s16+$0xC000]  }
0xad: {  	v0 =	vadd.f32 v3, v0  }
0xae: {  	v3 =	vld [tilespmem:s16+$0xC080]  }
0xaf: {  	v0 =	vadd.f32 v1, v0  }
0xb0: {  	v1 =	vld [tilespmem:s16+$0xC100]  }
0xb1: {  	v0 =	vadd.f32 v2, v0  }
0xb2: {  	v2 =	vld [tilespmem:s16+$0xC180]  }
0xb3: {  	v0 =	vadd.f32 v3, v0  }
0xb4: {  	v3 =	vld [tilespmem:s16+$0xC200]  }
0xb5: {  	v0 =	vadd.f32 v1, v0  }
0xb6: {  	v1 =	vld [tilespmem:s16+$0xC280]  }
0xb7: {  	v0 =	vadd.f32 v2, v0  }
0xb8: {  	v2 =	vld [tilespmem:s16+$0xC300]  }
0xb9: {  	v0 =	vadd.f32 v3, v0  }
0xba: {  	v3 =	vld [tilespmem:s16+$0xC380]  }
0xbb: {  	s15 =	sadd.s32 $0x10, s15;
	v0 =	vadd.f32 v1, v0  }
0xbc: {  	v1 =	vld [tilespmem:s15+$0x0]  }
0xbd: {  	v0 =	vadd.f32 v2, v0;
	_ =	sdelay $0x1  }
.Ltmp1:
0xbe: {  	v0 =	vadd.f32 v3, v0;
	(pc) =	sbr.rel @p0 .LBB2_4-.Ltmp1, $4  }
0xbf: {  	_ = 	snop  }
0xc0: {  	s17 =	sadd.s32 $0x80, s17;
	v0 =	vadd.f32 v0, v1  }
0xc1: {  	s19 =	sand.u32 $0x3C00, s17;
	s16 =	sand.u32 $0x70, s18  }
0xc2: {  	s18 =	sadd.s32 $0x10, s18;
	s16 =	sor.u32 s16, s19;
	[tilespmem:s15+$0x0] =	vst v0  }
0xc3: {  	v0 =	vld [tilespmem:s16+$0x8080]  }
0xc4: {  	v1 =	vld [tilespmem:s16+$0x8000];
	_ =	sdelay $0x1  }
0xc5: {  	v2 =	vld [tilespmem:s16+$0x8100];
	_ =	sdelay $0x1  }
0xc6: {  	v3 =	vld [tilespmem:s16+$0x8180]  }
0xc7: {  	v0 =	vadd.f32 v0, v1  }
0xc8: {  	v51 =	vld [tilespmem:s16+$0x8200]  }
0xc9: {  	v0 =	vadd.f32 v2, v0  }
0xca: {  	v52 =	vld [tilespmem:s16+$0x8280]  }
0xcb: {  	v0 =	vadd.f32 v3, v0  }
0xcc: {  	v53 =	vld [tilespmem:s16+$0x8300]  }
0xcd: {  	v0 =	vadd.f32 v51, v0  }
0xce: {  	v54 =	vld [tilespmem:s16+$0x8380]  }
0xcf: {  	v0 =	vadd.f32 v52, v0  }
0xd0: {  	v55 =	vld [tilespmem:s16+$0xC000]  }
0xd1: {  	v0 =	vadd.f32 v53, v0  }
0xd2: {  	v56 =	vld [tilespmem:s16+$0xC080]  }
0xd3: {  	v0 =	vadd.f32 v54, v0  }
0xd4: {  	v57 =	vld [tilespmem:s16+$0xC100]  }
0xd5: {  	v0 =	vadd.f32 v55, v0  }
0xd6: {  	v58 =	vld [tilespmem:s16+$0xC180]  }
0xd7: {  	v0 =	vadd.f32 v56, v0  }
0xd8: {  	v59 =	vld [tilespmem:s16+$0xC200]  }
0xd9: {  	v0 =	vadd.f32 v57, v0  }
0xda: {  	v60 =	vld [tilespmem:s16+$0xC280]  }
0xdb: {  	v0 =	vadd.f32 v58, v0  }
0xdc: {  	v61 =	vld [tilespmem:s16+$0xC300]  }
0xdd: {  	v0 =	vadd.f32 v59, v0  }
0xde: {  	v62 =	vld [tilespmem:s16+$0xC380]  }
0xdf: {  	s15 =	sadd.s32 $0x10, s15;
	v0 =	vadd.f32 v60, v0  }
0xe0: {  	v63 =	vld [tilespmem:s15+$0x0]  }
0xe1: {  	v0 =	vadd.f32 v61, v0;
	_ =	sdelay $0x1  }
0xe2: {  	v0 =	vadd.f32 v62, v0;
	_ =	sdelay $0x1  }
0xe3: {  	s14 =	sadd.s32 $0x1, s14;
	v0 =	vadd.f32 v0, v63  }
0xe4: {  	p0 =	sne.s32 s14, s6  }
.Ltmp2:
0xe5: {  	[tilespmem:s15+$0x0] =	vst v0;
	(pc) =	sbr.rel @p0 .LBB2_1-.Ltmp2, $4  }
0xe6: {  	[hbm4b:s5+s10] =	stream.strided.scatter [tilespmem:s12], [sflag:$0x3], $0x800, s11, s10, $0x38;
	[tilespmem:$0x10800] =	vst v63  }
0xe7: {  	_ =	swait.ge [sflag:s13], $0x800  }
0xe8: {  	[sflag:s13] =	ssyncset.done $0x0  }
0xe9: {  	[sflag:s13] =	ssyncadd.s32 $0xFFFFF800  }
0xea: {  	_ =	sfence.sel $0x180000  }
0xeb: {  	[bflag:$0x0] =	sbarrier.arrive $0xFFFF  }
0xec: {  	p0 =	sne.s32 s1, $0x0;
	_ =	strace $0x90000047  }
0xed: {  	s0 =	sadd.s32 @!p0 $0x100000, s0;
	[bflag:$0x2] =	sbarrier.arrive $0xFFFF  }
0xee: {  	[sflag:s0] =	ssyncadd.tile.s32 @!p0 $0x1;
	_ =	shalt  }
.Lfunc_end2:
_tile_overlayer_lowered:
.L_overlay_start_2:
0xef: {  	(tag) =	ssettag $0x2  }
0xf0: {  	s0 =	rddreg [dreg:$0x0];
	s2 =	stileid.u32  }
0xf1: {  	s1 =	rddreg [dreg:$0x1];
	p0 =	sne.s32 s2, $0x0  }
0xf2: {  	s3 =	rddreg [dreg:$0x2];
	[bflag:$0x3] =	sbarrier.arrive $0xFFFF;
	s2 =	simm.s32 @!p0 $0x1C03  }
0xf3: {  	[timem:s3], [sflag:s2] =	dma.local @!p0 [hbm:s0], s1  }
0xf4: {  	s0 =	simm.s32 @!p0 $0x3  }
0xf5: {  	_ =	swait.ge @!p0 [sflag:s0], s1  }
0xf6: {  	s1 =	ssub.s32 @!p0 $0x0, s1;
	[sflag:s0] =	ssyncset.done @!p0 $0x0  }
0xf7: {  	[sflag:s0] =	ssyncadd.s32 @!p0 s1  }
0xf8: {  	[bflag:$0x3] =	sbarrier.arrive $0xFFFF  }
0xf9: {  	_ =	shalt  }

</sc_bundles>
